<compile_context>
chip_gen: v7x
topology: tpu7x:2x2x1
jax: 0.10.2.dev20260603
libtpu: 0.0.44.dev20260713+nightly
codegen_flags: <defaults>
</compile_context>

<pallas_src>
import functools

import jax
import jax.numpy as jnp
from jax.experimental import pallas as pl
from jax.experimental.pallas import tpu as pltpu
from jax.experimental.pallas import tpu_sc as plsc

B = 16384
D = 32
K = 5
GROUP = 128
NG = B // GROUP
RBLK = 256
CBLK = 4096
SEL_RBLK = 512
NEG = -3.0e38


def _prep_body(x_ref, xb_ref, xt_ref, n_ref, nt_ref):
    x = x_ref[...]
    xb_ref[...] = x.astype(jnp.bfloat16)
    xt = x.T
    xt_ref[...] = xt.astype(jnp.bfloat16)
    n_ref[...] = jnp.sqrt(jnp.sum(x * x + 1e-6, axis=1, keepdims=True))
    nt_ref[...] = jnp.sqrt(jnp.sum(xt * xt + 1e-6, axis=0, keepdims=True))


def _sim_body(xkb_ref, xtq_ref, nk_ref, ntq_ref, s_ref, l_ref, sidx_ref,
              lsc, gsc):
    r = pl.program_id(0)
    c = pl.program_id(1)
    nc = pl.num_programs(1)
    gpc = CBLK // GROUP

    fz = jax.lax.dot_general(
        xkb_ref[...], xtq_ref[...],
        (((1,), (0,)), ((), ())),
        preferred_element_type=jnp.float32,
    )
    s = (fz * (1.0 / nk_ref[...])) * (1.0 / ntq_ref[...])
    s_ref[...] = s.T.reshape(RBLK, gpc, GROUP)

    g = jnp.max(s.reshape(gpc, GROUP, RBLK), axis=1)
    gsc[c] = g

    @pl.when(c == 0)
    def _():
        lsc[...] = jnp.zeros((1, RBLK), jnp.float32)

    lsc[...] += jnp.sum(jnp.exp(s), axis=0, keepdims=True)

    @pl.when(c == nc - 1)
    def _():
        l_ref[...] = lsc[...]
        cur = gsc[...]
        gid = (jax.lax.broadcasted_iota(jnp.int32, (nc, gpc, RBLK), 0) * gpc
               + jax.lax.broadcasted_iota(jnp.int32, (nc, gpc, RBLK), 1))
        picks = []
        for _j in range(K):
            mv = jnp.max(jnp.max(cur, axis=0), axis=0,
                         keepdims=True)
            am = jnp.min(jnp.min(jnp.where(cur >= mv, gid, NG), axis=0),
                         axis=0, keepdims=True)
            picks.append(am)
            cur = jnp.where(gid == am, NEG, cur)
        g5 = jnp.concatenate(picks, axis=0).T
        rows = r * RBLK + jax.lax.broadcasted_iota(jnp.int32, (RBLK, K), 0)
        sidx_ref[...] = rows * NG + g5


def _select_body(cand_ref, sidx_ref, l_ref, w_ref, ei_ref):
    r = pl.program_id(0)
    w = K * GROUP
    x = cand_ref[...]
    lane = jax.lax.broadcasted_iota(jnp.int32, (SEL_RBLK, w), 1)
    rows = r * SEL_RBLK + jax.lax.broadcasted_iota(
        jnp.int32, (SEL_RBLK, K), 0)
    g5 = sidx_ref[...] - rows * NG

    vals = []
    eidx = []
    for _t in range(K):
        mv = jnp.max(x, axis=-1, keepdims=True)
        am = jnp.min(jnp.where(x >= mv, lane, w), axis=-1,
                     keepdims=True)
        slot = am // GROUP
        off = am - slot * GROUP
        gsel = jnp.zeros_like(slot)
        for j in range(K):
            gsel = jnp.where(slot == j, g5[:, j:j + 1], gsel)
        eidx.append(gsel * GROUP + off)
        vals.append(mv)
        x = jnp.where(lane == am, NEG, x)

    v = jnp.concatenate(vals, axis=1)
    lcol = l_ref[...].T
    p = jnp.exp(v) / lcol
    pm = jnp.max(p, axis=-1, keepdims=True)
    e = jnp.exp(p - pm)
    w_ref[...] = e / jnp.sum(e, axis=-1, keepdims=True)
    ei_ref[...] = jnp.concatenate(eidx, axis=1)


def _combine_body(g_ref, w_ref, o_ref):
    g = g_ref[...]
    w = w_ref[...]
    acc = w[:, 0:1] * g[:, 0:D]
    for j in range(1, K):
        acc = acc + w[:, j:j + 1] * g[:, j * GROUP:j * GROUP + D]
    o_ref[...] = acc


def _sc_gather(table, idx, value_dim, window):
    n = idx.shape[1]
    rows = table.size // value_dim
    mesh = plsc.VectorSubcoreMesh(core_axis_name="core",
                                  subcore_axis_name="subcore")

    @pl.kernel(out_type=jax.ShapeDtypeStruct((n, value_dim), table.dtype),
               mesh=mesh)
    def kern(x_hbm, i_hbm, o_hbm):
        x2d = x_hbm.reshape(rows, value_dim)

        def body(i_vmem, o_vmem):
            pltpu.sync_copy(x2d.at[i_vmem.at[0]], o_vmem)

        pltpu.emit_pipeline(
            body,
            grid=(n // window,),
            in_specs=[pl.BlockSpec((1, window), index_map=lambda i: (0, i))],
            out_specs=[pl.BlockSpec((window, value_dim),
                                    index_map=lambda i: (i, 0))],
            core_axis_name=("core", "subcore"),
            dimension_semantics=(pltpu.PARALLEL,),
        )(i_hbm, o_hbm)

    return kern(table, idx)


def _prep(x):
    return pl.pallas_call(
        _prep_body,
        out_shape=[
            jax.ShapeDtypeStruct((B, D), jnp.bfloat16),
            jax.ShapeDtypeStruct((D, B), jnp.bfloat16),
            jax.ShapeDtypeStruct((B, 1), jnp.float32),
            jax.ShapeDtypeStruct((1, B), jnp.float32),
        ],
    )(x)


def _similarity(xb, xt, n, nt):
    grid = (B // RBLK, B // CBLK)
    return pl.pallas_call(
        _sim_body,
        grid=grid,
        in_specs=[
            pl.BlockSpec((CBLK, D), lambda r, c: (c, 0)),
            pl.BlockSpec((D, RBLK), lambda r, c: (0, r)),
            pl.BlockSpec((CBLK, 1), lambda r, c: (c, 0)),
            pl.BlockSpec((1, RBLK), lambda r, c: (0, r)),
        ],
        out_specs=[
            pl.BlockSpec((RBLK, CBLK // GROUP, GROUP), lambda r, c: (r, c, 0)),
            pl.BlockSpec((1, RBLK), lambda r, c: (0, r)),
            pl.BlockSpec((RBLK, K), lambda r, c: (r, 0)),
        ],
        out_shape=[
            jax.ShapeDtypeStruct((B, NG, GROUP), jnp.float32),
            jax.ShapeDtypeStruct((1, B), jnp.float32),
            jax.ShapeDtypeStruct((B, K), jnp.int32),
        ],
        scratch_shapes=[
            pltpu.VMEM((1, RBLK), jnp.float32),
            pltpu.VMEM((B // CBLK, CBLK // GROUP, RBLK), jnp.float32),
        ],
        compiler_params=pltpu.CompilerParams(
            dimension_semantics=("parallel", "arbitrary")),
    )(xb, xt, n, nt)


def _select(cand, sidx, l):
    grid = (B // SEL_RBLK,)
    return pl.pallas_call(
        _select_body,
        grid=grid,
        in_specs=[
            pl.BlockSpec((SEL_RBLK, K * GROUP), lambda r: (r, 0)),
            pl.BlockSpec((SEL_RBLK, K), lambda r: (r, 0)),
            pl.BlockSpec((1, SEL_RBLK), lambda r: (0, r)),
        ],
        out_specs=[
            pl.BlockSpec((SEL_RBLK, K), lambda r: (r, 0)),
            pl.BlockSpec((SEL_RBLK, K), lambda r: (r, 0)),
        ],
        out_shape=[
            jax.ShapeDtypeStruct((B, K), jnp.float32),
            jax.ShapeDtypeStruct((B, K), jnp.int32),
        ],
        compiler_params=pltpu.CompilerParams(
            dimension_semantics=("parallel",)),
    )(cand, sidx, l)


def _combine(g, w):
    grid = (B // SEL_RBLK,)
    return pl.pallas_call(
        _combine_body,
        grid=grid,
        in_specs=[
            pl.BlockSpec((SEL_RBLK, K * GROUP), lambda r: (r, 0)),
            pl.BlockSpec((SEL_RBLK, K), lambda r: (r, 0)),
        ],
        out_specs=pl.BlockSpec((SEL_RBLK, D), lambda r: (r, 0)),
        out_shape=jax.ShapeDtypeStruct((B, D), jnp.float32),
        compiler_params=pltpu.CompilerParams(
            dimension_semantics=("parallel",)),
    )(g, w)


@jax.jit
def kernel(sess_emb):
    xb, xt, n, nt = _prep(sess_emb)
    s, l, sidx = _similarity(xb, xt, n, nt)
    cand = _sc_gather(s, sidx.reshape(1, B * K),
                      value_dim=GROUP, window=128)
    cand = cand.reshape(B, K * GROUP)
    w, eidx = _select(cand, sidx, l)
    emb_pad = jnp.pad(sess_emb, ((0, 0), (0, GROUP - D)))
    g = _sc_gather(emb_pad, eidx.reshape(1, B * K), value_dim=GROUP,
                   window=128)
    return _combine(g.reshape(B, K * GROUP), w)

# --- scband reference (transcript-rebuilt; emitter-appended) ---
"""Pipeline reference for scband-find-similar-intent-sess-24429773980360 (READ-ONLY COPY).

The authoritative reference and input builder live on the scoring server;
editing this copy changes nothing except your own understanding.
"""

import jax, jax.numpy as jnp
import numpy as np

NEIGHBOR_N = 5
HIDDEN_SIZE = 32
BATCH = 16384

def setup_inputs(seed: int = 0) -> dict:
    key = jax.random.key(seed)
    sess_emb = jax.random.normal(key, (BATCH, HIDDEN_SIZE), dtype=jnp.float32)
    return {"sess_emb": sess_emb}

def reference(sess_emb):
    # compute_sim
    fenzi = jnp.matmul(sess_emb, sess_emb.T)
    fenmu_l = jnp.sum(sess_emb * sess_emb + 1e-06, axis=1)
    fenmu_l = jnp.sqrt(fenmu_l)[:, None]
    fenmu = jnp.matmul(fenmu_l, fenmu_l.T)
    cos_sim = fenzi / fenmu
    cos_sim = jax.nn.softmax(cos_sim, axis=-1)
    # forward
    k_v = NEIGHBOR_N if cos_sim.shape[0] >= NEIGHBOR_N else cos_sim.shape[0]
    cos_topk, topk_indice = jax.lax.top_k(cos_sim, k_v)
    cos_topk = jax.nn.softmax(cos_topk, axis=-1)
    sess_topk = jnp.take(sess_emb, topk_indice, axis=0)  # [B, k, d]
    w = jnp.broadcast_to(cos_topk[:, :, None], (cos_topk.shape[0], cos_topk.shape[1], HIDDEN_SIZE))
    neighbor_sess = jnp.sum(w * sess_topk, axis=1)
    # dropout(0.4) is identity in eval mode
    return neighbor_sess

if __name__ == "__main__":
    import jax
    _d = setup_inputs()
    print(jax.jit(kernel)(*tuple(_d.values())))

</pallas_src>

<mosaic_0001>
#map = affine_map<(d0, d1) -> (0, 0)>
module attributes {stable_mosaic.version = 14 : i64} {
  func.func @kern(%arg0: i32, %arg1: i32, %arg2: memref<16384x128xf32, #tpu.memory_space<hbm>>, %arg3: memref<1x81920xi32, #tpu.memory_space<hbm>>, %arg4: memref<81920x128xf32, #tpu.memory_space<hbm>>) attributes {dimension_semantics = [#tpu.dimension_semantics<core_parallel>, #tpu.dimension_semantics<subcore_parallel>], iteration_bounds = array<i64: 2, 16>, scalar_prefetch = 0 : i64, scratch_operands = 0 : i64, tpu.core_type = #tpu.core_type<sc_vector_subcore>, window_params = [{transform_indices = #map}, {transform_indices = #map}, {transform_indices = #map}]} {
    %mul3A = arith.constant 1 : i32
    %mul3A_0 = arith.muli %arg1, %mul3A : i32
    %add3A = arith.constant 0 : i32
    %add3A_1 = arith.addi %add3A, %mul3A_0 : i32
    %mul3A_2 = arith.constant 16 : i32
    %mul3A_3 = arith.muli %arg0, %mul3A_2 : i32
    %add3A_4 = arith.addi %add3A_1, %mul3A_3 : i32
    %mul3A_5 = arith.constant 20 : i32
    %mul3A_6 = arith.muli %add3A_4, %mul3A_5 : i32
    "tpu.region"() ({
      %run_scoped3A = memref.alloca() : memref<2x1x128xi32, #tpu.memory_space<vmem>>
      %run_scoped3A_7 = tpu.sem_alloc : memref<2x!tpu.dma_semaphore, #tpu.memory_space<semaphore_mem>>
      %run_scoped3A_8 = memref.alloca() : memref<2x128x128xf32, #tpu.memory_space<vmem>>
      %run_scoped3A_9 = tpu.sem_alloc : memref<2x!tpu.dma_semaphore, #tpu.memory_space<semaphore_mem>>
      %add3A_10 = arith.constant 0 : i32
      %add3A_11 = arith.addi %add3A_10, %mul3A_6 : i32
      %select_n3A = arith.constant true
      %select_n3A_12 = arith.constant 0 : i32
      %select_n3A_13 = arith.constant -1 : i32
      %select_n3A_14 = arith.select %select_n3A, %select_n3A_13, %select_n3A_12 : i32
      %eq3A = arith.constant -1 : i32
      %eq3A_15 = arith.cmpi eq, %select_n3A_14, %eq3A : i32
      %select_n3A_16 = arith.constant 19 : i32
      %select_n3A_17 = arith.select %eq3A_15, %select_n3A_16, %select_n3A_14 : i32
      %add3A_18 = arith.addi %select_n3A_17, %mul3A_6 : i32
      %select_n3A_19 = arith.constant true
      %select_n3A_20 = arith.constant 0 : i32
      %select_n3A_21 = arith.constant 1 : i32
      %select_n3A_22 = arith.select %select_n3A_19, %select_n3A_21, %select_n3A_20 : i32
      %eq3A_23 = arith.constant 20 : i32
      %eq3A_24 = arith.cmpi eq, %select_n3A_22, %eq3A_23 : i32
      %select_n3A_25 = arith.constant 0 : i32
      %select_n3A_26 = arith.select %eq3A_24, %select_n3A_25, %select_n3A_22 : i32
      %add3A_27 = arith.addi %select_n3A_26, %mul3A_6 : i32
      %add3A_28 = arith.constant 1 : i32
      %add3A_29 = arith.addi %select_n3A_26, %add3A_28 : i32
      %select_n3A_30 = arith.constant true
      %select_n3A_31 = arith.select %select_n3A_30, %add3A_29, %select_n3A_26 : i32
      %eq3A_32 = arith.constant 20 : i32
      %eq3A_33 = arith.cmpi eq, %select_n3A_31, %eq3A_32 : i32
      %select_n3A_34 = arith.constant 0 : i32
      %select_n3A_35 = arith.select %eq3A_33, %select_n3A_34, %select_n3A_31 : i32
      %add3A_36 = arith.addi %select_n3A_35, %mul3A_6 : i32
      "tpu.trace_start"() <{level = 10 : i32, message = "ep_initialize_0"}> : () -> ()
      %rem3A = arith.constant 0 : i32
      %rem3A_37 = arith.constant 2 : i32
      %rem3A_38 = arith.remui %rem3A, %rem3A_37 : i32
      %mul3A_39 = arith.constant 128 : i32
      %mul3A_40 = arith.muli %mul3A_39, %add3A_11 : i32
      %dma_start3A = arith.constant 0 : i32
      %dma_start3A_41 = arith.constant 0 : i32
      %dma_start3A_42 = tpu.memref_slice %run_scoped3A[%rem3A_38, %dma_start3A, %dma_start3A_41] : memref<2x1x128xi32, #tpu.memory_space<vmem>> -> memref<1x1x128xi32, #tpu.memory_space<vmem>>
      %dma_start3A_43 = tpu.memref_squeeze %dma_start3A_42 : memref<1x1x128xi32, #tpu.memory_space<vmem>> -> memref<1x128xi32, #tpu.memory_space<vmem>>
      %dma_start3A_44 = arith.constant 0 : i32
      %dma_start3A_45 = tpu.memref_slice %arg3[%dma_start3A_44, %mul3A_40] : memref<1x81920xi32, #tpu.memory_space<hbm>> -> memref<1x128xi32, #tpu.memory_space<hbm>>
      %dma_start3A_46 = tpu.memref_slice %run_scoped3A_7[%rem3A_38] : memref<2x!tpu.dma_semaphore, #tpu.memory_space<semaphore_mem>> -> memref<1x!tpu.dma_semaphore, #tpu.memory_space<semaphore_mem>>
      %dma_start3A_47 = tpu.memref_squeeze %dma_start3A_46 : memref<1x!tpu.dma_semaphore, #tpu.memory_space<semaphore_mem>> -> memref<!tpu.dma_semaphore, #tpu.memory_space<semaphore_mem>>
      %dma_start3A_48 = arith.constant 0 : i32
      %dma_start3A_49 = arith.constant 0 : i32
      %dma_start3A_50 = tpu.memref_slice %run_scoped3A[%rem3A_38, %dma_start3A_48, %dma_start3A_49] : memref<2x1x128xi32, #tpu.memory_space<vmem>> -> memref<1x1x128xi32, #tpu.memory_space<vmem>>
      %dma_start3A_51 = tpu.memref_squeeze %dma_start3A_50 : memref<1x1x128xi32, #tpu.memory_space<vmem>> -> memref<1x128xi32, #tpu.memory_space<vmem>>
      %dma_start3A_52 = arith.constant 0 : i32
      %dma_start3A_53 = tpu.memref_slice %arg3[%dma_start3A_52, %mul3A_40] : memref<1x81920xi32, #tpu.memory_space<hbm>> -> memref<1x128xi32, #tpu.memory_space<hbm>>
      tpu.enqueue_dma source(%dma_start3A_53 : memref<1x128xi32, #tpu.memory_space<hbm>>) target(%dma_start3A_51 : memref<1x128xi32, #tpu.memory_space<vmem>>) target_semaphore(%dma_start3A_47 : memref<!tpu.dma_semaphore, #tpu.memory_space<semaphore_mem>>)
      %add3A_54 = arith.constant 0 : i32
      %add3A_55 = arith.constant 1 : i32
      %add3A_56 = arith.addi %add3A_54, %add3A_55 : i32
      %select_n3A_57 = arith.constant true
      %select_n3A_58 = arith.constant 0 : i32
      %select_n3A_59 = arith.select %select_n3A_57, %add3A_56, %select_n3A_58 : i32
      "tpu.trace_stop"() : () -> ()
      %scan3A = arith.constant 0 : i32
      %scan3A_60 = arith.constant 0 : i32
      %scan3A_61 = arith.constant 0 : i32
      %scan3A_62 = arith.constant 0 : i32
      %scan3A_63 = arith.constant 0 : i32
      %scan3A_64 = arith.constant 20 : i32
      %scan3A_65 = arith.addi %scan3A_63, %scan3A_64 : i32
      %scan3A_66 = arith.constant 1 : i32
      %scan3A_67:5 = scf.for %scan3A_121 = %scan3A_63 to %scan3A_65 step %scan3A_66 iter_args(%scan3A_122 = %select_n3A_59, %scan3A_123 = %scan3A, %scan3A_124 = %scan3A_60, %scan3A_125 = %scan3A_61, %scan3A_126 = %scan3A_62) -> (i32, i32, i32, i32, i32)  : i32 {
        %eq3A_127 = arith.constant 0 : i32
        %eq3A_128 = arith.cmpi eq, %scan3A_121, %eq3A_127 : i32
        %eq3A_129 = arith.constant 19 : i32
        %eq3A_130 = arith.cmpi eq, %scan3A_121, %eq3A_129 : i32
        %add3A_131 = arith.addi %scan3A_126, %mul3A_6 : i32
        %sub3A_132 = arith.constant 1 : i32
        %sub3A_133 = arith.subi %scan3A_126, %sub3A_132 : i32
        %select_n3A_134 = arith.constant true
        %select_n3A_135 = arith.select %select_n3A_134, %sub3A_133, %scan3A_126 : i32
        %eq3A_136 = arith.constant -1 : i32
        %eq3A_137 = arith.cmpi eq, %select_n3A_135, %eq3A_136 : i32
        %select_n3A_138 = arith.constant 19 : i32
        %select_n3A_139 = arith.select %eq3A_137, %select_n3A_138, %select_n3A_135 : i32
        %add3A_140 = arith.addi %select_n3A_139, %mul3A_6 : i32
        %add3A_141 = arith.constant 1 : i32
        %add3A_142 = arith.addi %scan3A_126, %add3A_141 : i32
        %select_n3A_143 = arith.constant true
        %select_n3A_144 = arith.select %select_n3A_143, %add3A_142, %scan3A_126 : i32
        %eq3A_145 = arith.constant 20 : i32
        %eq3A_146 = arith.cmpi eq, %select_n3A_144, %eq3A_145 : i32
        %select_n3A_147 = arith.constant 0 : i32
        %select_n3A_148 = arith.select %eq3A_146, %select_n3A_147, %select_n3A_144 : i32
        %add3A_149 = arith.addi %select_n3A_148, %mul3A_6 : i32
        %add3A_150 = arith.constant 1 : i32
        %add3A_151 = arith.addi %select_n3A_148, %add3A_150 : i32
        %select_n3A_152 = arith.constant true
        %select_n3A_153 = arith.select %select_n3A_152, %add3A_151, %select_n3A_148 : i32
        %eq3A_154 = arith.constant 20 : i32
        %eq3A_155 = arith.cmpi eq, %select_n3A_153, %eq3A_154 : i32
        %select_n3A_156 = arith.constant 0 : i32
        %select_n3A_157 = arith.select %eq3A_155, %select_n3A_156, %select_n3A_153 : i32
        %add3A_158 = arith.addi %select_n3A_157, %mul3A_6 : i32
        %ne3A = arith.cmpi ne, %add3A_131, %add3A_149 : i32
        %or3A = arith.constant false
        %or3A_159 = arith.ori %or3A, %ne3A : i1
        %ge3A = arith.constant 19 : i32
        %ge3A_160 = arith.cmpi sge, %scan3A_121, %ge3A : i32
        %not3A = arith.constant true
        %not3A_161 = arith.xori %ge3A_160, %not3A : i1
        %and3A = arith.andi %or3A_159, %not3A_161 : i1
        %convert_element_type3A = arith.extui %and3A : i1 to i32
        %cond3A = arith.constant 0 : i32
        %cond3A_162 = arith.cmpi ne, %convert_element_type3A, %cond3A : i32
        scf.if %cond3A_162 {
          "tpu.trace_start"() <{level = 10 : i32, message = "ep_copy_in"}> : () -> ()
          %rem3A_264 = arith.constant 2 : i32
          %rem3A_265 = arith.remui %scan3A_122, %rem3A_264 : i32
          %mul3A_266 = arith.constant 128 : i32
          %mul3A_267 = arith.muli %mul3A_266, %add3A_149 : i32
          %dma_start3A_268 = arith.constant 0 : i32
          %dma_start3A_269 = arith.constant 0 : i32
          %dma_start3A_270 = tpu.memref_slice %run_scoped3A[%rem3A_265, %dma_start3A_268, %dma_start3A_269] : memref<2x1x128xi32, #tpu.memory_space<vmem>> -> memref<1x1x128xi32, #tpu.memory_space<vmem>>
          %dma_start3A_271 = tpu.memref_squeeze %dma_start3A_270 : memref<1x1x128xi32, #tpu.memory_space<vmem>> -> memref<1x128xi32, #tpu.memory_space<vmem>>
          %dma_start3A_272 = arith.constant 0 : i32
          %dma_start3A_273 = tpu.memref_slice %arg3[%dma_start3A_272, %mul3A_267] : memref<1x81920xi32, #tpu.memory_space<hbm>> -> memref<1x128xi32, #tpu.memory_space<hbm>>
          %dma_start3A_274 = tpu.memref_slice %run_scoped3A_7[%rem3A_265] : memref<2x!tpu.dma_semaphore, #tpu.memory_space<semaphore_mem>> -> memref<1x!tpu.dma_semaphore, #tpu.memory_space<semaphore_mem>>
          %dma_start3A_275 = tpu.memref_squeeze %dma_start3A_274 : memref<1x!tpu.dma_semaphore, #tpu.memory_space<semaphore_mem>> -> memref<!tpu.dma_semaphore, #tpu.memory_space<semaphore_mem>>
          %dma_start3A_276 = arith.constant 0 : i32
          %dma_start3A_277 = arith.constant 0 : i32
          %dma_start3A_278 = tpu.memref_slice %run_scoped3A[%rem3A_265, %dma_start3A_276, %dma_start3A_277] : memref<2x1x128xi32, #tpu.memory_space<vmem>> -> memref<1x1x128xi32, #tpu.memory_space<vmem>>
          %dma_start3A_279 = tpu.memref_squeeze %dma_start3A_278 : memref<1x1x128xi32, #tpu.memory_space<vmem>> -> memref<1x128xi32, #tpu.memory_space<vmem>>
          %dma_start3A_280 = arith.constant 0 : i32
          %dma_start3A_281 = tpu.memref_slice %arg3[%dma_start3A_280, %mul3A_267] : memref<1x81920xi32, #tpu.memory_space<hbm>> -> memref<1x128xi32, #tpu.memory_space<hbm>>
          tpu.enqueue_dma source(%dma_start3A_281 : memref<1x128xi32, #tpu.memory_space<hbm>>) target(%dma_start3A_279 : memref<1x128xi32, #tpu.memory_space<vmem>>) target_semaphore(%dma_start3A_275 : memref<!tpu.dma_semaphore, #tpu.memory_space<semaphore_mem>>)
          "tpu.trace_stop"() : () -> ()
        } else {
        }
        %and3A_163 = arith.constant true
        %and3A_164 = arith.andi %and3A, %and3A_163 : i1
        %add3A_165 = arith.constant 1 : i32
        %add3A_166 = arith.addi %scan3A_122, %add3A_165 : i32
        %select_n3A_167 = arith.select %and3A_164, %add3A_166, %scan3A_122 : i32
        %ne3A_168 = arith.cmpi ne, %add3A_131, %add3A_149 : i32
        %or3A_169 = arith.constant false
        %or3A_170 = arith.ori %or3A_169, %ne3A_168 : i1
        %or3A_171 = arith.constant false
        %or3A_172 = arith.ori %or3A_170, %or3A_171 : i1
        %ge3A_173 = arith.constant 19 : i32
        %ge3A_174 = arith.cmpi sge, %scan3A_121, %ge3A_173 : i32
        %not3A_175 = arith.constant true
        %not3A_176 = arith.xori %ge3A_174, %not3A_175 : i1
        %and3A_177 = arith.andi %or3A_172, %not3A_176 : i1
        %ne3A_178 = arith.cmpi ne, %add3A_131, %add3A_140 : i32
        %or3A_179 = arith.constant false
        %or3A_180 = arith.ori %or3A_179, %ne3A_178 : i1
        %or3A_181 = arith.ori %or3A_180, %eq3A_128 : i1
        %convert_element_type3A_182 = arith.extui %or3A_181 : i1 to i32
        %cond3A_183 = arith.constant 0 : i32
        %cond3A_184 = arith.cmpi ne, %convert_element_type3A_182, %cond3A_183 : i32
        scf.if %cond3A_184 {
          "tpu.trace_start"() <{level = 10 : i32, message = "ep_wait_in"}> : () -> ()
          %mul3A_264 = arith.constant 128 : i32
          %mul3A_265 = arith.muli %mul3A_264, %add3A_131 : i32
          %rem3A_266 = arith.constant 2 : i32
          %rem3A_267 = arith.remui %scan3A_123, %rem3A_266 : i32
          %dma_wait3A_268 = arith.constant 0 : i32
          %dma_wait3A_269 = arith.constant 0 : i32
          %dma_wait3A_270 = tpu.memref_slice %run_scoped3A[%rem3A_267, %dma_wait3A_268, %dma_wait3A_269] : memref<2x1x128xi32, #tpu.memory_space<vmem>> -> memref<1x1x128xi32, #tpu.memory_space<vmem>>
          %dma_wait3A_271 = tpu.memref_squeeze %dma_wait3A_270 : memref<1x1x128xi32, #tpu.memory_space<vmem>> -> memref<1x128xi32, #tpu.memory_space<vmem>>
          %dma_wait3A_272 = arith.constant 0 : i32
          %dma_wait3A_273 = tpu.memref_slice %arg3[%dma_wait3A_272, %mul3A_265] : memref<1x81920xi32, #tpu.memory_space<hbm>> -> memref<1x128xi32, #tpu.memory_space<hbm>>
          %dma_wait3A_274 = tpu.memref_slice %run_scoped3A_7[%rem3A_267] : memref<2x!tpu.dma_semaphore, #tpu.memory_space<semaphore_mem>> -> memref<1x!tpu.dma_semaphore, #tpu.memory_space<semaphore_mem>>
          %dma_wait3A_275 = tpu.memref_squeeze %dma_wait3A_274 : memref<1x!tpu.dma_semaphore, #tpu.memory_space<semaphore_mem>> -> memref<!tpu.dma_semaphore, #tpu.memory_space<semaphore_mem>>
          %dma_wait3A_276 = arith.constant 0 : i32
          %dma_wait3A_277 = arith.constant 0 : i32
          %dma_wait3A_278 = tpu.memref_slice %run_scoped3A[%rem3A_267, %dma_wait3A_276, %dma_wait3A_277] : memref<2x1x128xi32, #tpu.memory_space<vmem>> -> memref<1x1x128xi32, #tpu.memory_space<vmem>>
          %dma_wait3A_279 = tpu.memref_squeeze %dma_wait3A_278 : memref<1x1x128xi32, #tpu.memory_space<vmem>> -> memref<1x128xi32, #tpu.memory_space<vmem>>
          %dma_wait3A_280 = arith.constant 0 : i32
          %dma_wait3A_281 = tpu.memref_slice %arg3[%dma_wait3A_280, %mul3A_265] : memref<1x81920xi32, #tpu.memory_space<hbm>> -> memref<1x128xi32, #tpu.memory_space<hbm>>
          tpu.wait_dma2 semaphore(%dma_wait3A_275 : memref<!tpu.dma_semaphore, #tpu.memory_space<semaphore_mem>>) src(%dma_wait3A_281 : memref<1x128xi32, #tpu.memory_space<hbm>>) dst(%dma_wait3A_279 : memref<1x128xi32, #tpu.memory_space<vmem>>)
          "tpu.trace_stop"() : () -> ()
        } else {
        }
        %ne3A_185 = arith.cmpi ne, %add3A_131, %add3A_140 : i32
        %or3A_186 = arith.constant false
        %or3A_187 = arith.ori %or3A_186, %ne3A_185 : i1
        %or3A_188 = arith.constant false
        %or3A_189 = arith.ori %or3A_187, %or3A_188 : i1
        %or3A_190 = arith.ori %or3A_189, %eq3A_128 : i1
        %convert_element_type3A_191 = arith.extui %or3A_190 : i1 to i32
        %cond3A_192 = arith.constant 0 : i32
        %cond3A_193 = arith.cmpi ne, %convert_element_type3A_191, %cond3A_192 : i32
        scf.if %cond3A_193 {
        } else {
        }
        %rem3A_194 = arith.constant 2 : i32
        %rem3A_195 = arith.remui %scan3A_123, %rem3A_194 : i32
        %rem3A_196 = arith.constant 2 : i32
        %rem3A_197 = arith.remui %scan3A_124, %rem3A_196 : i32
        %run_scoped3A_198 = arith.constant 0 : i32
        "tpu.trace_start"() <{level = 10 : i32, message = "ep_run_kernel"}> : () -> ()
        "tpu.region"() ({
          %run_scoped3A_264 = tpu.sem_alloc : memref<!tpu.dma_semaphore, #tpu.memory_space<semaphore_mem>>
          %dma_start3A_265 = arith.constant 0 : i32
          %dma_start3A_266 = arith.constant 0 : i32
          %dma_start3A_267 = tpu.memref_slice %run_scoped3A_8[%rem3A_197, %dma_start3A_265, %dma_start3A_266] : memref<2x128x128xf32, #tpu.memory_space<vmem>> -> memref<1x128x128xf32, #tpu.memory_space<vmem>>
          %dma_start3A_268 = tpu.memref_squeeze %dma_start3A_267 : memref<1x128x128xf32, #tpu.memory_space<vmem>> -> memref<128x128xf32, #tpu.memory_space<vmem>>
          %dma_start3A_269 = arith.constant 0 : i32
          %dma_start3A_270 = arith.constant 0 : i32
          %dma_start3A_271 = tpu.memref_slice %run_scoped3A[%rem3A_195, %dma_start3A_269, %dma_start3A_270] : memref<2x1x128xi32, #tpu.memory_space<vmem>> -> memref<1x1x128xi32, #tpu.memory_space<vmem>>
          %dma_start3A_272 = tpu.memref_squeeze %dma_start3A_271 : memref<1x1x128xi32, #tpu.memory_space<vmem>> -> memref<1x128xi32, #tpu.memory_space<vmem>>
          %dma_start3A_273 = arith.constant 0 : i32
          %dma_start3A_274 = tpu.memref_slice %dma_start3A_272[%run_scoped3A_198, %dma_start3A_273] : memref<1x128xi32, #tpu.memory_space<vmem>> -> memref<1x128xi32, #tpu.memory_space<vmem>>
          %dma_start3A_275 = tpu.memref_squeeze %dma_start3A_274 : memref<1x128xi32, #tpu.memory_space<vmem>> -> memref<128xi32, #tpu.memory_space<vmem>>
          %dma_start3A_276 = tpu.memref_reshape %arg2 : memref<16384x128xf32, #tpu.memory_space<hbm>> -> memref<16384x128xf32, #tpu.memory_space<hbm>>
          %dma_start3A_277 = arith.constant 0 : i32
          %dma_start3A_278 = arith.constant 0 : i32
          %dma_start3A_279 = tpu.memref_slice %dma_start3A_276[%dma_start3A_277, %dma_start3A_278] : memref<16384x128xf32, #tpu.memory_space<hbm>> -> memref<16384x128xf32, #tpu.memory_space<hbm>>
          tpu.enqueue_indirect_dma source(%dma_start3A_279 : memref<16384x128xf32, #tpu.memory_space<hbm>>) target(%dma_start3A_268 : memref<128x128xf32, #tpu.memory_space<vmem>>) offsets(%dma_start3A_275 : memref<128xi32, #tpu.memory_space<vmem>>) semaphore(%run_scoped3A_264 : memref<!tpu.dma_semaphore, #tpu.memory_space<semaphore_mem>>)
          %dma_wait3A_280 = arith.constant 0 : i32
          %dma_wait3A_281 = arith.constant 0 : i32
          %dma_wait3A_282 = tpu.memref_slice %run_scoped3A_8[%rem3A_197, %dma_wait3A_280, %dma_wait3A_281] : memref<2x128x128xf32, #tpu.memory_space<vmem>> -> memref<1x128x128xf32, #tpu.memory_space<vmem>>
          %dma_wait3A_283 = tpu.memref_squeeze %dma_wait3A_282 : memref<1x128x128xf32, #tpu.memory_space<vmem>> -> memref<128x128xf32, #tpu.memory_space<vmem>>
          %dma_wait3A_284 = arith.constant 0 : i32
          %dma_wait3A_285 = arith.constant 0 : i32
          %dma_wait3A_286 = tpu.memref_slice %run_scoped3A[%rem3A_195, %dma_wait3A_284, %dma_wait3A_285] : memref<2x1x128xi32, #tpu.memory_space<vmem>> -> memref<1x1x128xi32, #tpu.memory_space<vmem>>
          %dma_wait3A_287 = tpu.memref_squeeze %dma_wait3A_286 : memref<1x1x128xi32, #tpu.memory_space<vmem>> -> memref<1x128xi32, #tpu.memory_space<vmem>>
          %dma_wait3A_288 = arith.constant 0 : i32
          %dma_wait3A_289 = tpu.memref_slice %dma_wait3A_287[%run_scoped3A_198, %dma_wait3A_288] : memref<1x128xi32, #tpu.memory_space<vmem>> -> memref<1x128xi32, #tpu.memory_space<vmem>>
          %dma_wait3A_290 = tpu.memref_squeeze %dma_wait3A_289 : memref<1x128xi32, #tpu.memory_space<vmem>> -> memref<128xi32, #tpu.memory_space<vmem>>
          %dma_wait3A_291 = tpu.memref_reshape %arg2 : memref<16384x128xf32, #tpu.memory_space<hbm>> -> memref<16384x128xf32, #tpu.memory_space<hbm>>
          %dma_wait3A_292 = arith.constant 0 : i32
          %dma_wait3A_293 = arith.constant 0 : i32
          %dma_wait3A_294 = tpu.memref_slice %dma_wait3A_291[%dma_wait3A_292, %dma_wait3A_293] : memref<16384x128xf32, #tpu.memory_space<hbm>> -> memref<16384x128xf32, #tpu.memory_space<hbm>>
          tpu.wait_indirect_dma semaphore(%run_scoped3A_264 : memref<!tpu.dma_semaphore, #tpu.memory_space<semaphore_mem>>) src(%dma_wait3A_294 : memref<16384x128xf32, #tpu.memory_space<hbm>>) dst(%dma_wait3A_283 : memref<128x128xf32, #tpu.memory_space<vmem>>)
          tpu.yield
        }) : () -> ()
        "tpu.trace_stop"() : () -> ()
        %ne3A_199 = arith.cmpi ne, %add3A_131, %add3A_149 : i32
        %or3A_200 = arith.constant false
        %or3A_201 = arith.ori %or3A_200, %ne3A_199 : i1
        %or3A_202 = arith.ori %or3A_201, %eq3A_130 : i1
        %convert_element_type3A_203 = arith.extui %or3A_202 : i1 to i32
        %cond3A_204 = arith.constant 0 : i32
        %cond3A_205 = arith.cmpi ne, %convert_element_type3A_203, %cond3A_204 : i32
        scf.if %cond3A_205 {
        } else {
        }
        %and3A_206 = arith.constant false
        %and3A_207 = arith.andi %or3A_202, %and3A_206 : i1
        %ne3A_208 = arith.cmpi ne, %add3A_131, %add3A_149 : i32
        %or3A_209 = arith.constant false
        %or3A_210 = arith.ori %or3A_209, %ne3A_208 : i1
        %or3A_211 = arith.constant false
        %or3A_212 = arith.ori %or3A_210, %or3A_211 : i1
        %or3A_213 = arith.ori %or3A_212, %eq3A_130 : i1
        %convert_element_type3A_214 = arith.extui %or3A_213 : i1 to i32
        %cond3A_215 = arith.constant 0 : i32
        %cond3A_216 = arith.cmpi ne, %convert_element_type3A_214, %cond3A_215 : i32
        scf.if %cond3A_216 {
          "tpu.trace_start"() <{level = 10 : i32, message = "ep_copy_out"}> : () -> ()
          %rem3A_264 = arith.constant 2 : i32
          %rem3A_265 = arith.remui %scan3A_124, %rem3A_264 : i32
          %mul3A_266 = arith.constant 128 : i32
          %mul3A_267 = arith.muli %mul3A_266, %add3A_131 : i32
          %dma_start3A_268 = arith.constant 0 : i32
          %dma_start3A_269 = arith.constant 0 : i32
          %dma_start3A_270 = tpu.memref_slice %run_scoped3A_8[%rem3A_265, %dma_start3A_268, %dma_start3A_269] : memref<2x128x128xf32, #tpu.memory_space<vmem>> -> memref<1x128x128xf32, #tpu.memory_space<vmem>>
          %dma_start3A_271 = tpu.memref_squeeze %dma_start3A_270 : memref<1x128x128xf32, #tpu.memory_space<vmem>> -> memref<128x128xf32, #tpu.memory_space<vmem>>
          %dma_start3A_272 = arith.constant 0 : i32
          %dma_start3A_273 = tpu.memref_slice %arg4[%mul3A_267, %dma_start3A_272] : memref<81920x128xf32, #tpu.memory_space<hbm>> -> memref<128x128xf32, #tpu.memory_space<hbm>>
          %dma_start3A_274 = tpu.memref_slice %run_scoped3A_9[%rem3A_265] : memref<2x!tpu.dma_semaphore, #tpu.memory_space<semaphore_mem>> -> memref<1x!tpu.dma_semaphore, #tpu.memory_space<semaphore_mem>>
          %dma_start3A_275 = tpu.memref_squeeze %dma_start3A_274 : memref<1x!tpu.dma_semaphore, #tpu.memory_space<semaphore_mem>> -> memref<!tpu.dma_semaphore, #tpu.memory_space<semaphore_mem>>
          %dma_start3A_276 = arith.constant 0 : i32
          %dma_start3A_277 = tpu.memref_slice %arg4[%mul3A_267, %dma_start3A_276] : memref<81920x128xf32, #tpu.memory_space<hbm>> -> memref<128x128xf32, #tpu.memory_space<hbm>>
          %dma_start3A_278 = arith.constant 0 : i32
          %dma_start3A_279 = arith.constant 0 : i32
          %dma_start3A_280 = tpu.memref_slice %run_scoped3A_8[%rem3A_265, %dma_start3A_278, %dma_start3A_279] : memref<2x128x128xf32, #tpu.memory_space<vmem>> -> memref<1x128x128xf32, #tpu.memory_space<vmem>>
          %dma_start3A_281 = tpu.memref_squeeze %dma_start3A_280 : memref<1x128x128xf32, #tpu.memory_space<vmem>> -> memref<128x128xf32, #tpu.memory_space<vmem>>
          tpu.enqueue_dma source(%dma_start3A_281 : memref<128x128xf32, #tpu.memory_space<vmem>>) target(%dma_start3A_277 : memref<128x128xf32, #tpu.memory_space<hbm>>) target_semaphore(%dma_start3A_275 : memref<!tpu.dma_semaphore, #tpu.memory_space<semaphore_mem>>)
          "tpu.trace_stop"() : () -> ()
        } else {
        }
        %and3A_217 = arith.constant true
        %and3A_218 = arith.andi %or3A_213, %and3A_217 : i1
        %add3A_219 = arith.constant 1 : i32
        %add3A_220 = arith.addi %scan3A_124, %add3A_219 : i32
        %select_n3A_221 = arith.select %and3A_218, %add3A_220, %scan3A_124 : i32
        %ne3A_222 = arith.cmpi ne, %add3A_131, %add3A_140 : i32
        %or3A_223 = arith.constant false
        %or3A_224 = arith.ori %or3A_223, %ne3A_222 : i1
        %not3A_225 = arith.constant true
        %not3A_226 = arith.xori %eq3A_128, %not3A_225 : i1
        %and3A_227 = arith.andi %or3A_224, %not3A_226 : i1
        %convert_element_type3A_228 = arith.extui %and3A_227 : i1 to i32
        %cond3A_229 = arith.constant 0 : i32
        %cond3A_230 = arith.cmpi ne, %convert_element_type3A_228, %cond3A_229 : i32
        scf.if %cond3A_230 {
        } else {
        }
        %and3A_231 = arith.constant false
        %and3A_232 = arith.andi %and3A_227, %and3A_231 : i1
        %ne3A_233 = arith.cmpi ne, %add3A_131, %add3A_140 : i32
        %or3A_234 = arith.constant false
        %or3A_235 = arith.ori %or3A_234, %ne3A_233 : i1
        %or3A_236 = arith.constant false
        %or3A_237 = arith.ori %or3A_235, %or3A_236 : i1
        %not3A_238 = arith.constant true
        %not3A_239 = arith.xori %eq3A_128, %not3A_238 : i1
        %and3A_240 = arith.andi %or3A_237, %not3A_239 : i1
        %convert_element_type3A_241 = arith.extui %and3A_240 : i1 to i32
        %cond3A_242 = arith.constant 0 : i32
        %cond3A_243 = arith.cmpi ne, %convert_element_type3A_241, %cond3A_242 : i32
        scf.if %cond3A_243 {
          "tpu.trace_start"() <{level = 10 : i32, message = "ep_wait_out"}> : () -> ()
          %rem3A_264 = arith.constant 2 : i32
          %rem3A_265 = arith.remui %scan3A_125, %rem3A_264 : i32
          %mul3A_266 = arith.constant 128 : i32
          %mul3A_267 = arith.muli %mul3A_266, %add3A_140 : i32
          %dma_wait3A_268 = arith.constant 0 : i32
          %dma_wait3A_269 = arith.constant 0 : i32
          %dma_wait3A_270 = tpu.memref_slice %run_scoped3A_8[%rem3A_265, %dma_wait3A_268, %dma_wait3A_269] : memref<2x128x128xf32, #tpu.memory_space<vmem>> -> memref<1x128x128xf32, #tpu.memory_space<vmem>>
          %dma_wait3A_271 = tpu.memref_squeeze %dma_wait3A_270 : memref<1x128x128xf32, #tpu.memory_space<vmem>> -> memref<128x128xf32, #tpu.memory_space<vmem>>
          %dma_wait3A_272 = arith.constant 0 : i32
          %dma_wait3A_273 = tpu.memref_slice %arg4[%mul3A_267, %dma_wait3A_272] : memref<81920x128xf32, #tpu.memory_space<hbm>> -> memref<128x128xf32, #tpu.memory_space<hbm>>
          %dma_wait3A_274 = tpu.memref_slice %run_scoped3A_9[%rem3A_265] : memref<2x!tpu.dma_semaphore, #tpu.memory_space<semaphore_mem>> -> memref<1x!tpu.dma_semaphore, #tpu.memory_space<semaphore_mem>>
          %dma_wait3A_275 = tpu.memref_squeeze %dma_wait3A_274 : memref<1x!tpu.dma_semaphore, #tpu.memory_space<semaphore_mem>> -> memref<!tpu.dma_semaphore, #tpu.memory_space<semaphore_mem>>
          %dma_wait3A_276 = arith.constant 0 : i32
          %dma_wait3A_277 = tpu.memref_slice %arg4[%mul3A_267, %dma_wait3A_276] : memref<81920x128xf32, #tpu.memory_space<hbm>> -> memref<128x128xf32, #tpu.memory_space<hbm>>
          %dma_wait3A_278 = arith.constant 0 : i32
          %dma_wait3A_279 = arith.constant 0 : i32
          %dma_wait3A_280 = tpu.memref_slice %run_scoped3A_8[%rem3A_265, %dma_wait3A_278, %dma_wait3A_279] : memref<2x128x128xf32, #tpu.memory_space<vmem>> -> memref<1x128x128xf32, #tpu.memory_space<vmem>>
          %dma_wait3A_281 = tpu.memref_squeeze %dma_wait3A_280 : memref<1x128x128xf32, #tpu.memory_space<vmem>> -> memref<128x128xf32, #tpu.memory_space<vmem>>
          tpu.wait_dma2 semaphore(%dma_wait3A_275 : memref<!tpu.dma_semaphore, #tpu.memory_space<semaphore_mem>>) src(%dma_wait3A_281 : memref<128x128xf32, #tpu.memory_space<vmem>>) dst(%dma_wait3A_277 : memref<128x128xf32, #tpu.memory_space<hbm>>)
          "tpu.trace_stop"() : () -> ()
        } else {
        }
        %and3A_244 = arith.constant true
        %and3A_245 = arith.andi %and3A_240, %and3A_244 : i1
        %add3A_246 = arith.constant 1 : i32
        %add3A_247 = arith.addi %scan3A_125, %add3A_246 : i32
        %select_n3A_248 = arith.select %and3A_245, %add3A_247, %scan3A_125 : i32
        %ne3A_249 = arith.cmpi ne, %add3A_131, %add3A_149 : i32
        %or3A_250 = arith.constant false
        %or3A_251 = arith.ori %or3A_250, %ne3A_249 : i1
        %or3A_252 = arith.ori %or3A_251, %eq3A_130 : i1
        %add3A_253 = arith.constant 1 : i32
        %add3A_254 = arith.addi %scan3A_123, %add3A_253 : i32
        %select_n3A_255 = arith.select %or3A_252, %add3A_254, %scan3A_123 : i32
        %add3A_256 = arith.constant 1 : i32
        %add3A_257 = arith.addi %scan3A_126, %add3A_256 : i32
        %select_n3A_258 = arith.constant true
        %select_n3A_259 = arith.select %select_n3A_258, %add3A_257, %scan3A_126 : i32
        %eq3A_260 = arith.constant 20 : i32
        %eq3A_261 = arith.cmpi eq, %select_n3A_259, %eq3A_260 : i32
        %select_n3A_262 = arith.constant 0 : i32
        %select_n3A_263 = arith.select %eq3A_261, %select_n3A_262, %select_n3A_259 : i32
        scf.yield %select_n3A_167, %select_n3A_255, %select_n3A_221, %select_n3A_248, %select_n3A_263 : i32, i32, i32, i32, i32
      }
      %scan3A_68 = arith.constant 20 : i32
      %sub3A = arith.constant 1 : i32
      %sub3A_69 = arith.subi %scan3A_67#4, %sub3A : i32
      %select_n3A_70 = arith.constant true
      %select_n3A_71 = arith.select %select_n3A_70, %sub3A_69, %scan3A_67#4 : i32
      %eq3A_72 = arith.constant -1 : i32
      %eq3A_73 = arith.cmpi eq, %select_n3A_71, %eq3A_72 : i32
      %select_n3A_74 = arith.constant 19 : i32
      %select_n3A_75 = arith.select %eq3A_73, %select_n3A_74, %select_n3A_71 : i32
      %add3A_76 = arith.addi %select_n3A_75, %mul3A_6 : i32
      %sub3A_77 = arith.constant 1 : i32
      %sub3A_78 = arith.subi %select_n3A_75, %sub3A_77 : i32
      %select_n3A_79 = arith.constant true
      %select_n3A_80 = arith.select %select_n3A_79, %sub3A_78, %select_n3A_75 : i32
      %eq3A_81 = arith.constant -1 : i32
      %eq3A_82 = arith.cmpi eq, %select_n3A_80, %eq3A_81 : i32
      %select_n3A_83 = arith.constant 19 : i32
      %select_n3A_84 = arith.select %eq3A_82, %select_n3A_83, %select_n3A_80 : i32
      %add3A_85 = arith.addi %select_n3A_84, %mul3A_6 : i32
      %add3A_86 = arith.constant 1 : i32
      %add3A_87 = arith.addi %select_n3A_75, %add3A_86 : i32
      %select_n3A_88 = arith.constant true
      %select_n3A_89 = arith.select %select_n3A_88, %add3A_87, %select_n3A_75 : i32
      %eq3A_90 = arith.constant 20 : i32
      %eq3A_91 = arith.cmpi eq, %select_n3A_89, %eq3A_90 : i32
      %select_n3A_92 = arith.constant 0 : i32
      %select_n3A_93 = arith.select %eq3A_91, %select_n3A_92, %select_n3A_89 : i32
      %add3A_94 = arith.addi %select_n3A_93, %mul3A_6 : i32
      %add3A_95 = arith.constant 1 : i32
      %add3A_96 = arith.addi %select_n3A_93, %add3A_95 : i32
      %select_n3A_97 = arith.constant true
      %select_n3A_98 = arith.select %select_n3A_97, %add3A_96, %select_n3A_93 : i32
      %eq3A_99 = arith.constant 20 : i32
      %eq3A_100 = arith.cmpi eq, %select_n3A_98, %eq3A_99 : i32
      %select_n3A_101 = arith.constant 0 : i32
      %select_n3A_102 = arith.select %eq3A_100, %select_n3A_101, %select_n3A_98 : i32
      %add3A_103 = arith.addi %select_n3A_102, %mul3A_6 : i32
      "tpu.trace_start"() <{level = 10 : i32, message = "ep_finalize"}> : () -> ()
      %rem3A_104 = arith.constant 2 : i32
      %rem3A_105 = arith.remui %scan3A_67#3, %rem3A_104 : i32
      %mul3A_106 = arith.constant 128 : i32
      %mul3A_107 = arith.muli %mul3A_106, %add3A_76 : i32
      %dma_wait3A = arith.constant 0 : i32
      %dma_wait3A_108 = arith.constant 0 : i32
      %dma_wait3A_109 = tpu.memref_slice %run_scoped3A_8[%rem3A_105, %dma_wait3A, %dma_wait3A_108] : memref<2x128x128xf32, #tpu.memory_space<vmem>> -> memref<1x128x128xf32, #tpu.memory_space<vmem>>
      %dma_wait3A_110 = tpu.memref_squeeze %dma_wait3A_109 : memref<1x128x128xf32, #tpu.memory_space<vmem>> -> memref<128x128xf32, #tpu.memory_space<vmem>>
      %dma_wait3A_111 = arith.constant 0 : i32
      %dma_wait3A_112 = tpu.memref_slice %arg4[%mul3A_107, %dma_wait3A_111] : memref<81920x128xf32, #tpu.memory_space<hbm>> -> memref<128x128xf32, #tpu.memory_space<hbm>>
      %dma_wait3A_113 = tpu.memref_slice %run_scoped3A_9[%rem3A_105] : memref<2x!tpu.dma_semaphore, #tpu.memory_space<semaphore_mem>> -> memref<1x!tpu.dma_semaphore, #tpu.memory_space<semaphore_mem>>
      %dma_wait3A_114 = tpu.memref_squeeze %dma_wait3A_113 : memref<1x!tpu.dma_semaphore, #tpu.memory_space<semaphore_mem>> -> memref<!tpu.dma_semaphore, #tpu.memory_space<semaphore_mem>>
      %dma_wait3A_115 = arith.constant 0 : i32
      %dma_wait3A_116 = tpu.memref_slice %arg4[%mul3A_107, %dma_wait3A_115] : memref<81920x128xf32, #tpu.memory_space<hbm>> -> memref<128x128xf32, #tpu.memory_space<hbm>>
      %dma_wait3A_117 = arith.constant 0 : i32
      %dma_wait3A_118 = arith.constant 0 : i32
      %dma_wait3A_119 = tpu.memref_slice %run_scoped3A_8[%rem3A_105, %dma_wait3A_117, %dma_wait3A_118] : memref<2x128x128xf32, #tpu.memory_space<vmem>> -> memref<1x128x128xf32, #tpu.memory_space<vmem>>
      %dma_wait3A_120 = tpu.memref_squeeze %dma_wait3A_119 : memref<1x128x128xf32, #tpu.memory_space<vmem>> -> memref<128x128xf32, #tpu.memory_space<vmem>>
      tpu.wait_dma2 semaphore(%dma_wait3A_114 : memref<!tpu.dma_semaphore, #tpu.memory_space<semaphore_mem>>) src(%dma_wait3A_120 : memref<128x128xf32, #tpu.memory_space<vmem>>) dst(%dma_wait3A_116 : memref<128x128xf32, #tpu.memory_space<hbm>>)
      "tpu.trace_stop"() : () -> ()
      tpu.yield
    }) : () -> ()
    return
  }
}

#map = affine_map<(d0, d1) -> (0, 0, 0)>
#map1 = affine_map<(d0, d1) -> (0, 0)>
module attributes {stable_mosaic.version = 14 : i64} {
  func.func @kern(%arg0: i32, %arg1: i32, %arg2: memref<16384x128x128xf32, #tpu.memory_space<hbm>>, %arg3: memref<1x81920xi32, #tpu.memory_space<hbm>>, %arg4: memref<81920x128xf32, #tpu.memory_space<hbm>>) attributes {dimension_semantics = [#tpu.dimension_semantics<core_parallel>, #tpu.dimension_semantics<subcore_parallel>], iteration_bounds = array<i64: 2, 16>, scalar_prefetch = 0 : i64, scratch_operands = 0 : i64, tpu.core_type = #tpu.core_type<sc_vector_subcore>, window_params = [{transform_indices = #map}, {transform_indices = #map1}, {transform_indices = #map1}]} {
    %mul3A = arith.constant 1 : i32
    %mul3A_0 = arith.muli %arg1, %mul3A : i32
    %add3A = arith.constant 0 : i32
    %add3A_1 = arith.addi %add3A, %mul3A_0 : i32
    %mul3A_2 = arith.constant 16 : i32
    %mul3A_3 = arith.muli %arg0, %mul3A_2 : i32
    %add3A_4 = arith.addi %add3A_1, %mul3A_3 : i32
    %mul3A_5 = arith.constant 20 : i32
    %mul3A_6 = arith.muli %add3A_4, %mul3A_5 : i32
    "tpu.region"() ({
      %run_scoped3A = memref.alloca() : memref<2x1x128xi32, #tpu.memory_space<vmem>>
      %run_scoped3A_7 = tpu.sem_alloc : memref<2x!tpu.dma_semaphore, #tpu.memory_space<semaphore_mem>>
      %run_scoped3A_8 = memref.alloca() : memref<2x128x128xf32, #tpu.memory_space<vmem>>
      %run_scoped3A_9 = tpu.sem_alloc : memref<2x!tpu.dma_semaphore, #tpu.memory_space<semaphore_mem>>
      %add3A_10 = arith.constant 0 : i32
      %add3A_11 = arith.addi %add3A_10, %mul3A_6 : i32
      %select_n3A = arith.constant true
      %select_n3A_12 = arith.constant 0 : i32
      %select_n3A_13 = arith.constant -1 : i32
      %select_n3A_14 = arith.select %select_n3A, %select_n3A_13, %select_n3A_12 : i32
      %eq3A = arith.constant -1 : i32
      %eq3A_15 = arith.cmpi eq, %select_n3A_14, %eq3A : i32
      %select_n3A_16 = arith.constant 19 : i32
      %select_n3A_17 = arith.select %eq3A_15, %select_n3A_16, %select_n3A_14 : i32
      %add3A_18 = arith.addi %select_n3A_17, %mul3A_6 : i32
      %select_n3A_19 = arith.constant true
      %select_n3A_20 = arith.constant 0 : i32
      %select_n3A_21 = arith.constant 1 : i32
      %select_n3A_22 = arith.select %select_n3A_19, %select_n3A_21, %select_n3A_20 : i32
      %eq3A_23 = arith.constant 20 : i32
      %eq3A_24 = arith.cmpi eq, %select_n3A_22, %eq3A_23 : i32
      %select_n3A_25 = arith.constant 0 : i32
      %select_n3A_26 = arith.select %eq3A_24, %select_n3A_25, %select_n3A_22 : i32
      %add3A_27 = arith.addi %select_n3A_26, %mul3A_6 : i32
      %add3A_28 = arith.constant 1 : i32
      %add3A_29 = arith.addi %select_n3A_26, %add3A_28 : i32
      %select_n3A_30 = arith.constant true
      %select_n3A_31 = arith.select %select_n3A_30, %add3A_29, %select_n3A_26 : i32
      %eq3A_32 = arith.constant 20 : i32
      %eq3A_33 = arith.cmpi eq, %select_n3A_31, %eq3A_32 : i32
      %select_n3A_34 = arith.constant 0 : i32
      %select_n3A_35 = arith.select %eq3A_33, %select_n3A_34, %select_n3A_31 : i32
      %add3A_36 = arith.addi %select_n3A_35, %mul3A_6 : i32
      "tpu.trace_start"() <{level = 10 : i32, message = "ep_initialize_0"}> : () -> ()
      %rem3A = arith.constant 0 : i32
      %rem3A_37 = arith.constant 2 : i32
      %rem3A_38 = arith.remui %rem3A, %rem3A_37 : i32
      %mul3A_39 = arith.constant 128 : i32
      %mul3A_40 = arith.muli %mul3A_39, %add3A_11 : i32
      %dma_start3A = arith.constant 0 : i32
      %dma_start3A_41 = arith.constant 0 : i32
      %dma_start3A_42 = tpu.memref_slice %run_scoped3A[%rem3A_38, %dma_start3A, %dma_start3A_41] : memref<2x1x128xi32, #tpu.memory_space<vmem>> -> memref<1x1x128xi32, #tpu.memory_space<vmem>>
      %dma_start3A_43 = tpu.memref_squeeze %dma_start3A_42 : memref<1x1x128xi32, #tpu.memory_space<vmem>> -> memref<1x128xi32, #tpu.memory_space<vmem>>
      %dma_start3A_44 = arith.constant 0 : i32
      %dma_start3A_45 = tpu.memref_slice %arg3[%dma_start3A_44, %mul3A_40] : memref<1x81920xi32, #tpu.memory_space<hbm>> -> memref<1x128xi32, #tpu.memory_space<hbm>>
      %dma_start3A_46 = tpu.memref_slice %run_scoped3A_7[%rem3A_38] : memref<2x!tpu.dma_semaphore, #tpu.memory_space<semaphore_mem>> -> memref<1x!tpu.dma_semaphore, #tpu.memory_space<semaphore_mem>>
      %dma_start3A_47 = tpu.memref_squeeze %dma_start3A_46 : memref<1x!tpu.dma_semaphore, #tpu.memory_space<semaphore_mem>> -> memref<!tpu.dma_semaphore, #tpu.memory_space<semaphore_mem>>
      %dma_start3A_48 = arith.constant 0 : i32
      %dma_start3A_49 = arith.constant 0 : i32
      %dma_start3A_50 = tpu.memref_slice %run_scoped3A[%rem3A_38, %dma_start3A_48, %dma_start3A_49] : memref<2x1x128xi32, #tpu.memory_space<vmem>> -> memref<1x1x128xi32, #tpu.memory_space<vmem>>
      %dma_start3A_51 = tpu.memref_squeeze %dma_start3A_50 : memref<1x1x128xi32, #tpu.memory_space<vmem>> -> memref<1x128xi32, #tpu.memory_space<vmem>>
      %dma_start3A_52 = arith.constant 0 : i32
      %dma_start3A_53 = tpu.memref_slice %arg3[%dma_start3A_52, %mul3A_40] : memref<1x81920xi32, #tpu.memory_space<hbm>> -> memref<1x128xi32, #tpu.memory_space<hbm>>
      tpu.enqueue_dma source(%dma_start3A_53 : memref<1x128xi32, #tpu.memory_space<hbm>>) target(%dma_start3A_51 : memref<1x128xi32, #tpu.memory_space<vmem>>) target_semaphore(%dma_start3A_47 : memref<!tpu.dma_semaphore, #tpu.memory_space<semaphore_mem>>)
      %add3A_54 = arith.constant 0 : i32
      %add3A_55 = arith.constant 1 : i32
      %add3A_56 = arith.addi %add3A_54, %add3A_55 : i32
      %select_n3A_57 = arith.constant true
      %select_n3A_58 = arith.constant 0 : i32
      %select_n3A_59 = arith.select %select_n3A_57, %add3A_56, %select_n3A_58 : i32
      "tpu.trace_stop"() : () -> ()
      %scan3A = arith.constant 0 : i32
      %scan3A_60 = arith.constant 0 : i32
      %scan3A_61 = arith.constant 0 : i32
      %scan3A_62 = arith.constant 0 : i32
      %scan3A_63 = arith.constant 0 : i32
      %scan3A_64 = arith.constant 20 : i32
      %scan3A_65 = arith.addi %scan3A_63, %scan3A_64 : i32
      %scan3A_66 = arith.constant 1 : i32
      %scan3A_67:5 = scf.for %scan3A_121 = %scan3A_63 to %scan3A_65 step %scan3A_66 iter_args(%scan3A_122 = %select_n3A_59, %scan3A_123 = %scan3A, %scan3A_124 = %scan3A_60, %scan3A_125 = %scan3A_61, %scan3A_126 = %scan3A_62) -> (i32, i32, i32, i32, i32)  : i32 {
        %eq3A_127 = arith.constant 0 : i32
        %eq3A_128 = arith.cmpi eq, %scan3A_121, %eq3A_127 : i32
        %eq3A_129 = arith.constant 19 : i32
        %eq3A_130 = arith.cmpi eq, %scan3A_121, %eq3A_129 : i32
        %add3A_131 = arith.addi %scan3A_126, %mul3A_6 : i32
        %sub3A_132 = arith.constant 1 : i32
        %sub3A_133 = arith.subi %scan3A_126, %sub3A_132 : i32
        %select_n3A_134 = arith.constant true
        %select_n3A_135 = arith.select %select_n3A_134, %sub3A_133, %scan3A_126 : i32
        %eq3A_136 = arith.constant -1 : i32
        %eq3A_137 = arith.cmpi eq, %select_n3A_135, %eq3A_136 : i32
        %select_n3A_138 = arith.constant 19 : i32
        %select_n3A_139 = arith.select %eq3A_137, %select_n3A_138, %select_n3A_135 : i32
        %add3A_140 = arith.addi %select_n3A_139, %mul3A_6 : i32
        %add3A_141 = arith.constant 1 : i32
        %add3A_142 = arith.addi %scan3A_126, %add3A_141 : i32
        %select_n3A_143 = arith.constant true
        %select_n3A_144 = arith.select %select_n3A_143, %add3A_142, %scan3A_126 : i32
        %eq3A_145 = arith.constant 20 : i32
        %eq3A_146 = arith.cmpi eq, %select_n3A_144, %eq3A_145 : i32
        %select_n3A_147 = arith.constant 0 : i32
        %select_n3A_148 = arith.select %eq3A_146, %select_n3A_147, %select_n3A_144 : i32
        %add3A_149 = arith.addi %select_n3A_148, %mul3A_6 : i32
        %add3A_150 = arith.constant 1 : i32
        %add3A_151 = arith.addi %select_n3A_148, %add3A_150 : i32
        %select_n3A_152 = arith.constant true
        %select_n3A_153 = arith.select %select_n3A_152, %add3A_151, %select_n3A_148 : i32
        %eq3A_154 = arith.constant 20 : i32
        %eq3A_155 = arith.cmpi eq, %select_n3A_153, %eq3A_154 : i32
        %select_n3A_156 = arith.constant 0 : i32
        %select_n3A_157 = arith.select %eq3A_155, %select_n3A_156, %select_n3A_153 : i32
        %add3A_158 = arith.addi %select_n3A_157, %mul3A_6 : i32
        %ne3A = arith.cmpi ne, %add3A_131, %add3A_149 : i32
        %or3A = arith.constant false
        %or3A_159 = arith.ori %or3A, %ne3A : i1
        %ge3A = arith.constant 19 : i32
        %ge3A_160 = arith.cmpi sge, %scan3A_121, %ge3A : i32
        %not3A = arith.constant true
        %not3A_161 = arith.xori %ge3A_160, %not3A : i1
        %and3A = arith.andi %or3A_159, %not3A_161 : i1
        %convert_element_type3A = arith.extui %and3A : i1 to i32
        %cond3A = arith.constant 0 : i32
        %cond3A_162 = arith.cmpi ne, %convert_element_type3A, %cond3A : i32
        scf.if %cond3A_162 {
          "tpu.trace_start"() <{level = 10 : i32, message = "ep_copy_in"}> : () -> ()
          %rem3A_264 = arith.constant 2 : i32
          %rem3A_265 = arith.remui %scan3A_122, %rem3A_264 : i32
          %mul3A_266 = arith.constant 128 : i32
          %mul3A_267 = arith.muli %mul3A_266, %add3A_149 : i32
          %dma_start3A_268 = arith.constant 0 : i32
          %dma_start3A_269 = arith.constant 0 : i32
          %dma_start3A_270 = tpu.memref_slice %run_scoped3A[%rem3A_265, %dma_start3A_268, %dma_start3A_269] : memref<2x1x128xi32, #tpu.memory_space<vmem>> -> memref<1x1x128xi32, #tpu.memory_space<vmem>>
          %dma_start3A_271 = tpu.memref_squeeze %dma_start3A_270 : memref<1x1x128xi32, #tpu.memory_space<vmem>> -> memref<1x128xi32, #tpu.memory_space<vmem>>
          %dma_start3A_272 = arith.constant 0 : i32
          %dma_start3A_273 = tpu.memref_slice %arg3[%dma_start3A_272, %mul3A_267] : memref<1x81920xi32, #tpu.memory_space<hbm>> -> memref<1x128xi32, #tpu.memory_space<hbm>>
          %dma_start3A_274 = tpu.memref_slice %run_scoped3A_7[%rem3A_265] : memref<2x!tpu.dma_semaphore, #tpu.memory_space<semaphore_mem>> -> memref<1x!tpu.dma_semaphore, #tpu.memory_space<semaphore_mem>>
          %dma_start3A_275 = tpu.memref_squeeze %dma_start3A_274 : memref<1x!tpu.dma_semaphore, #tpu.memory_space<semaphore_mem>> -> memref<!tpu.dma_semaphore, #tpu.memory_space<semaphore_mem>>
          %dma_start3A_276 = arith.constant 0 : i32
          %dma_start3A_277 = arith.constant 0 : i32
          %dma_start3A_278 = tpu.memref_slice %run_scoped3A[%rem3A_265, %dma_start3A_276, %dma_start3A_277] : memref<2x1x128xi32, #tpu.memory_space<vmem>> -> memref<1x1x128xi32, #tpu.memory_space<vmem>>
          %dma_start3A_279 = tpu.memref_squeeze %dma_start3A_278 : memref<1x1x128xi32, #tpu.memory_space<vmem>> -> memref<1x128xi32, #tpu.memory_space<vmem>>
          %dma_start3A_280 = arith.constant 0 : i32
          %dma_start3A_281 = tpu.memref_slice %arg3[%dma_start3A_280, %mul3A_267] : memref<1x81920xi32, #tpu.memory_space<hbm>> -> memref<1x128xi32, #tpu.memory_space<hbm>>
          tpu.enqueue_dma source(%dma_start3A_281 : memref<1x128xi32, #tpu.memory_space<hbm>>) target(%dma_start3A_279 : memref<1x128xi32, #tpu.memory_space<vmem>>) target_semaphore(%dma_start3A_275 : memref<!tpu.dma_semaphore, #tpu.memory_space<semaphore_mem>>)
          "tpu.trace_stop"() : () -> ()
        } else {
        }
        %and3A_163 = arith.constant true
        %and3A_164 = arith.andi %and3A, %and3A_163 : i1
        %add3A_165 = arith.constant 1 : i32
        %add3A_166 = arith.addi %scan3A_122, %add3A_165 : i32
        %select_n3A_167 = arith.select %and3A_164, %add3A_166, %scan3A_122 : i32
        %ne3A_168 = arith.cmpi ne, %add3A_131, %add3A_149 : i32
        %or3A_169 = arith.constant false
        %or3A_170 = arith.ori %or3A_169, %ne3A_168 : i1
        %or3A_171 = arith.constant false
        %or3A_172 = arith.ori %or3A_170, %or3A_171 : i1
        %ge3A_173 = arith.constant 19 : i32
        %ge3A_174 = arith.cmpi sge, %scan3A_121, %ge3A_173 : i32
        %not3A_175 = arith.constant true
        %not3A_176 = arith.xori %ge3A_174, %not3A_175 : i1
        %and3A_177 = arith.andi %or3A_172, %not3A_176 : i1
        %ne3A_178 = arith.cmpi ne, %add3A_131, %add3A_140 : i32
        %or3A_179 = arith.constant false
        %or3A_180 = arith.ori %or3A_179, %ne3A_178 : i1
        %or3A_181 = arith.ori %or3A_180, %eq3A_128 : i1
        %convert_element_type3A_182 = arith.extui %or3A_181 : i1 to i32
        %cond3A_183 = arith.constant 0 : i32
        %cond3A_184 = arith.cmpi ne, %convert_element_type3A_182, %cond3A_183 : i32
        scf.if %cond3A_184 {
          "tpu.trace_start"() <{level = 10 : i32, message = "ep_wait_in"}> : () -> ()
          %mul3A_264 = arith.constant 128 : i32
          %mul3A_265 = arith.muli %mul3A_264, %add3A_131 : i32
          %rem3A_266 = arith.constant 2 : i32
          %rem3A_267 = arith.remui %scan3A_123, %rem3A_266 : i32
          %dma_wait3A_268 = arith.constant 0 : i32
          %dma_wait3A_269 = arith.constant 0 : i32
          %dma_wait3A_270 = tpu.memref_slice %run_scoped3A[%rem3A_267, %dma_wait3A_268, %dma_wait3A_269] : memref<2x1x128xi32, #tpu.memory_space<vmem>> -> memref<1x1x128xi32, #tpu.memory_space<vmem>>
          %dma_wait3A_271 = tpu.memref_squeeze %dma_wait3A_270 : memref<1x1x128xi32, #tpu.memory_space<vmem>> -> memref<1x128xi32, #tpu.memory_space<vmem>>
          %dma_wait3A_272 = arith.constant 0 : i32
          %dma_wait3A_273 = tpu.memref_slice %arg3[%dma_wait3A_272, %mul3A_265] : memref<1x81920xi32, #tpu.memory_space<hbm>> -> memref<1x128xi32, #tpu.memory_space<hbm>>
          %dma_wait3A_274 = tpu.memref_slice %run_scoped3A_7[%rem3A_267] : memref<2x!tpu.dma_semaphore, #tpu.memory_space<semaphore_mem>> -> memref<1x!tpu.dma_semaphore, #tpu.memory_space<semaphore_mem>>
          %dma_wait3A_275 = tpu.memref_squeeze %dma_wait3A_274 : memref<1x!tpu.dma_semaphore, #tpu.memory_space<semaphore_mem>> -> memref<!tpu.dma_semaphore, #tpu.memory_space<semaphore_mem>>
          %dma_wait3A_276 = arith.constant 0 : i32
          %dma_wait3A_277 = arith.constant 0 : i32
          %dma_wait3A_278 = tpu.memref_slice %run_scoped3A[%rem3A_267, %dma_wait3A_276, %dma_wait3A_277] : memref<2x1x128xi32, #tpu.memory_space<vmem>> -> memref<1x1x128xi32, #tpu.memory_space<vmem>>
          %dma_wait3A_279 = tpu.memref_squeeze %dma_wait3A_278 : memref<1x1x128xi32, #tpu.memory_space<vmem>> -> memref<1x128xi32, #tpu.memory_space<vmem>>
          %dma_wait3A_280 = arith.constant 0 : i32
          %dma_wait3A_281 = tpu.memref_slice %arg3[%dma_wait3A_280, %mul3A_265] : memref<1x81920xi32, #tpu.memory_space<hbm>> -> memref<1x128xi32, #tpu.memory_space<hbm>>
          tpu.wait_dma2 semaphore(%dma_wait3A_275 : memref<!tpu.dma_semaphore, #tpu.memory_space<semaphore_mem>>) src(%dma_wait3A_281 : memref<1x128xi32, #tpu.memory_space<hbm>>) dst(%dma_wait3A_279 : memref<1x128xi32, #tpu.memory_space<vmem>>)
          "tpu.trace_stop"() : () -> ()
        } else {
        }
        %ne3A_185 = arith.cmpi ne, %add3A_131, %add3A_140 : i32
        %or3A_186 = arith.constant false
        %or3A_187 = arith.ori %or3A_186, %ne3A_185 : i1
        %or3A_188 = arith.constant false
        %or3A_189 = arith.ori %or3A_187, %or3A_188 : i1
        %or3A_190 = arith.ori %or3A_189, %eq3A_128 : i1
        %convert_element_type3A_191 = arith.extui %or3A_190 : i1 to i32
        %cond3A_192 = arith.constant 0 : i32
        %cond3A_193 = arith.cmpi ne, %convert_element_type3A_191, %cond3A_192 : i32
        scf.if %cond3A_193 {
        } else {
        }
        %rem3A_194 = arith.constant 2 : i32
        %rem3A_195 = arith.remui %scan3A_123, %rem3A_194 : i32
        %rem3A_196 = arith.constant 2 : i32
        %rem3A_197 = arith.remui %scan3A_124, %rem3A_196 : i32
        %run_scoped3A_198 = arith.constant 0 : i32
        "tpu.trace_start"() <{level = 10 : i32, message = "ep_run_kernel"}> : () -> ()
        "tpu.region"() ({
          %run_scoped3A_264 = tpu.sem_alloc : memref<!tpu.dma_semaphore, #tpu.memory_space<semaphore_mem>>
          %dma_start3A_265 = arith.constant 0 : i32
          %dma_start3A_266 = arith.constant 0 : i32
          %dma_start3A_267 = tpu.memref_slice %run_scoped3A_8[%rem3A_197, %dma_start3A_265, %dma_start3A_266] : memref<2x128x128xf32, #tpu.memory_space<vmem>> -> memref<1x128x128xf32, #tpu.memory_space<vmem>>
          %dma_start3A_268 = tpu.memref_squeeze %dma_start3A_267 : memref<1x128x128xf32, #tpu.memory_space<vmem>> -> memref<128x128xf32, #tpu.memory_space<vmem>>
          %dma_start3A_269 = arith.constant 0 : i32
          %dma_start3A_270 = arith.constant 0 : i32
          %dma_start3A_271 = tpu.memref_slice %run_scoped3A[%rem3A_195, %dma_start3A_269, %dma_start3A_270] : memref<2x1x128xi32, #tpu.memory_space<vmem>> -> memref<1x1x128xi32, #tpu.memory_space<vmem>>
          %dma_start3A_272 = tpu.memref_squeeze %dma_start3A_271 : memref<1x1x128xi32, #tpu.memory_space<vmem>> -> memref<1x128xi32, #tpu.memory_space<vmem>>
          %dma_start3A_273 = arith.constant 0 : i32
          %dma_start3A_274 = tpu.memref_slice %dma_start3A_272[%run_scoped3A_198, %dma_start3A_273] : memref<1x128xi32, #tpu.memory_space<vmem>> -> memref<1x128xi32, #tpu.memory_space<vmem>>
          %dma_start3A_275 = tpu.memref_squeeze %dma_start3A_274 : memref<1x128xi32, #tpu.memory_space<vmem>> -> memref<128xi32, #tpu.memory_space<vmem>>
          %dma_start3A_276 = tpu.memref_reshape %arg2 : memref<16384x128x128xf32, #tpu.memory_space<hbm>> -> memref<2097152x128xf32, #tpu.memory_space<hbm>>
          %dma_start3A_277 = arith.constant 0 : i32
          %dma_start3A_278 = arith.constant 0 : i32
          %dma_start3A_279 = tpu.memref_slice %dma_start3A_276[%dma_start3A_277, %dma_start3A_278] : memref<2097152x128xf32, #tpu.memory_space<hbm>> -> memref<2097152x128xf32, #tpu.memory_space<hbm>>
          tpu.enqueue_indirect_dma source(%dma_start3A_279 : memref<2097152x128xf32, #tpu.memory_space<hbm>>) target(%dma_start3A_268 : memref<128x128xf32, #tpu.memory_space<vmem>>) offsets(%dma_start3A_275 : memref<128xi32, #tpu.memory_space<vmem>>) semaphore(%run_scoped3A_264 : memref<!tpu.dma_semaphore, #tpu.memory_space<semaphore_mem>>)
          %dma_wait3A_280 = arith.constant 0 : i32
          %dma_wait3A_281 = arith.constant 0 : i32
          %dma_wait3A_282 = tpu.memref_slice %run_scoped3A_8[%rem3A_197, %dma_wait3A_280, %dma_wait3A_281] : memref<2x128x128xf32, #tpu.memory_space<vmem>> -> memref<1x128x128xf32, #tpu.memory_space<vmem>>
          %dma_wait3A_283 = tpu.memref_squeeze %dma_wait3A_282 : memref<1x128x128xf32, #tpu.memory_space<vmem>> -> memref<128x128xf32, #tpu.memory_space<vmem>>
          %dma_wait3A_284 = arith.constant 0 : i32
          %dma_wait3A_285 = arith.constant 0 : i32
          %dma_wait3A_286 = tpu.memref_slice %run_scoped3A[%rem3A_195, %dma_wait3A_284, %dma_wait3A_285] : memref<2x1x128xi32, #tpu.memory_space<vmem>> -> memref<1x1x128xi32, #tpu.memory_space<vmem>>
          %dma_wait3A_287 = tpu.memref_squeeze %dma_wait3A_286 : memref<1x1x128xi32, #tpu.memory_space<vmem>> -> memref<1x128xi32, #tpu.memory_space<vmem>>
          %dma_wait3A_288 = arith.constant 0 : i32
          %dma_wait3A_289 = tpu.memref_slice %dma_wait3A_287[%run_scoped3A_198, %dma_wait3A_288] : memref<1x128xi32, #tpu.memory_space<vmem>> -> memref<1x128xi32, #tpu.memory_space<vmem>>
          %dma_wait3A_290 = tpu.memref_squeeze %dma_wait3A_289 : memref<1x128xi32, #tpu.memory_space<vmem>> -> memref<128xi32, #tpu.memory_space<vmem>>
          %dma_wait3A_291 = tpu.memref_reshape %arg2 : memref<16384x128x128xf32, #tpu.memory_space<hbm>> -> memref<2097152x128xf32, #tpu.memory_space<hbm>>
          %dma_wait3A_292 = arith.constant 0 : i32
          %dma_wait3A_293 = arith.constant 0 : i32
          %dma_wait3A_294 = tpu.memref_slice %dma_wait3A_291[%dma_wait3A_292, %dma_wait3A_293] : memref<2097152x128xf32, #tpu.memory_space<hbm>> -> memref<2097152x128xf32, #tpu.memory_space<hbm>>
          tpu.wait_indirect_dma semaphore(%run_scoped3A_264 : memref<!tpu.dma_semaphore, #tpu.memory_space<semaphore_mem>>) src(%dma_wait3A_294 : memref<2097152x128xf32, #tpu.memory_space<hbm>>) dst(%dma_wait3A_283 : memref<128x128xf32, #tpu.memory_space<vmem>>)
          tpu.yield
        }) : () -> ()
        "tpu.trace_stop"() : () -> ()
        %ne3A_199 = arith.cmpi ne, %add3A_131, %add3A_149 : i32
        %or3A_200 = arith.constant false
        %or3A_201 = arith.ori %or3A_200, %ne3A_199 : i1
        %or3A_202 = arith.ori %or3A_201, %eq3A_130 : i1
        %convert_element_type3A_203 = arith.extui %or3A_202 : i1 to i32
        %cond3A_204 = arith.constant 0 : i32
        %cond3A_205 = arith.cmpi ne, %convert_element_type3A_203, %cond3A_204 : i32
        scf.if %cond3A_205 {
        } else {
        }
        %and3A_206 = arith.constant false
        %and3A_207 = arith.andi %or3A_202, %and3A_206 : i1
        %ne3A_208 = arith.cmpi ne, %add3A_131, %add3A_149 : i32
        %or3A_209 = arith.constant false
        %or3A_210 = arith.ori %or3A_209, %ne3A_208 : i1
        %or3A_211 = arith.constant false
        %or3A_212 = arith.ori %or3A_210, %or3A_211 : i1
        %or3A_213 = arith.ori %or3A_212, %eq3A_130 : i1
        %convert_element_type3A_214 = arith.extui %or3A_213 : i1 to i32
        %cond3A_215 = arith.constant 0 : i32
        %cond3A_216 = arith.cmpi ne, %convert_element_type3A_214, %cond3A_215 : i32
        scf.if %cond3A_216 {
          "tpu.trace_start"() <{level = 10 : i32, message = "ep_copy_out"}> : () -> ()
          %rem3A_264 = arith.constant 2 : i32
          %rem3A_265 = arith.remui %scan3A_124, %rem3A_264 : i32
          %mul3A_266 = arith.constant 128 : i32
          %mul3A_267 = arith.muli %mul3A_266, %add3A_131 : i32
          %dma_start3A_268 = arith.constant 0 : i32
          %dma_start3A_269 = arith.constant 0 : i32
          %dma_start3A_270 = tpu.memref_slice %run_scoped3A_8[%rem3A_265, %dma_start3A_268, %dma_start3A_269] : memref<2x128x128xf32, #tpu.memory_space<vmem>> -> memref<1x128x128xf32, #tpu.memory_space<vmem>>
          %dma_start3A_271 = tpu.memref_squeeze %dma_start3A_270 : memref<1x128x128xf32, #tpu.memory_space<vmem>> -> memref<128x128xf32, #tpu.memory_space<vmem>>
          %dma_start3A_272 = arith.constant 0 : i32
          %dma_start3A_273 = tpu.memref_slice %arg4[%mul3A_267, %dma_start3A_272] : memref<81920x128xf32, #tpu.memory_space<hbm>> -> memref<128x128xf32, #tpu.memory_space<hbm>>
          %dma_start3A_274 = tpu.memref_slice %run_scoped3A_9[%rem3A_265] : memref<2x!tpu.dma_semaphore, #tpu.memory_space<semaphore_mem>> -> memref<1x!tpu.dma_semaphore, #tpu.memory_space<semaphore_mem>>
          %dma_start3A_275 = tpu.memref_squeeze %dma_start3A_274 : memref<1x!tpu.dma_semaphore, #tpu.memory_space<semaphore_mem>> -> memref<!tpu.dma_semaphore, #tpu.memory_space<semaphore_mem>>
          %dma_start3A_276 = arith.constant 0 : i32
          %dma_start3A_277 = tpu.memref_slice %arg4[%mul3A_267, %dma_start3A_276] : memref<81920x128xf32, #tpu.memory_space<hbm>> -> memref<128x128xf32, #tpu.memory_space<hbm>>
          %dma_start3A_278 = arith.constant 0 : i32
          %dma_start3A_279 = arith.constant 0 : i32
          %dma_start3A_280 = tpu.memref_slice %run_scoped3A_8[%rem3A_265, %dma_start3A_278, %dma_start3A_279] : memref<2x128x128xf32, #tpu.memory_space<vmem>> -> memref<1x128x128xf32, #tpu.memory_space<vmem>>
          %dma_start3A_281 = tpu.memref_squeeze %dma_start3A_280 : memref<1x128x128xf32, #tpu.memory_space<vmem>> -> memref<128x128xf32, #tpu.memory_space<vmem>>
          tpu.enqueue_dma source(%dma_start3A_281 : memref<128x128xf32, #tpu.memory_space<vmem>>) target(%dma_start3A_277 : memref<128x128xf32, #tpu.memory_space<hbm>>) target_semaphore(%dma_start3A_275 : memref<!tpu.dma_semaphore, #tpu.memory_space<semaphore_mem>>)
          "tpu.trace_stop"() : () -> ()
        } else {
        }
        %and3A_217 = arith.constant true
        %and3A_218 = arith.andi %or3A_213, %and3A_217 : i1
        %add3A_219 = arith.constant 1 : i32
        %add3A_220 = arith.addi %scan3A_124, %add3A_219 : i32
        %select_n3A_221 = arith.select %and3A_218, %add3A_220, %scan3A_124 : i32
        %ne3A_222 = arith.cmpi ne, %add3A_131, %add3A_140 : i32
        %or3A_223 = arith.constant false
        %or3A_224 = arith.ori %or3A_223, %ne3A_222 : i1
        %not3A_225 = arith.constant true
        %not3A_226 = arith.xori %eq3A_128, %not3A_225 : i1
        %and3A_227 = arith.andi %or3A_224, %not3A_226 : i1
        %convert_element_type3A_228 = arith.extui %and3A_227 : i1 to i32
        %cond3A_229 = arith.constant 0 : i32
        %cond3A_230 = arith.cmpi ne, %convert_element_type3A_228, %cond3A_229 : i32
        scf.if %cond3A_230 {
        } else {
        }
        %and3A_231 = arith.constant false
        %and3A_232 = arith.andi %and3A_227, %and3A_231 : i1
        %ne3A_233 = arith.cmpi ne, %add3A_131, %add3A_140 : i32
        %or3A_234 = arith.constant false
        %or3A_235 = arith.ori %or3A_234, %ne3A_233 : i1
        %or3A_236 = arith.constant false
        %or3A_237 = arith.ori %or3A_235, %or3A_236 : i1
        %not3A_238 = arith.constant true
        %not3A_239 = arith.xori %eq3A_128, %not3A_238 : i1
        %and3A_240 = arith.andi %or3A_237, %not3A_239 : i1
        %convert_element_type3A_241 = arith.extui %and3A_240 : i1 to i32
        %cond3A_242 = arith.constant 0 : i32
        %cond3A_243 = arith.cmpi ne, %convert_element_type3A_241, %cond3A_242 : i32
        scf.if %cond3A_243 {
          "tpu.trace_start"() <{level = 10 : i32, message = "ep_wait_out"}> : () -> ()
          %rem3A_264 = arith.constant 2 : i32
          %rem3A_265 = arith.remui %scan3A_125, %rem3A_264 : i32
          %mul3A_266 = arith.constant 128 : i32
          %mul3A_267 = arith.muli %mul3A_266, %add3A_140 : i32
          %dma_wait3A_268 = arith.constant 0 : i32
          %dma_wait3A_269 = arith.constant 0 : i32
          %dma_wait3A_270 = tpu.memref_slice %run_scoped3A_8[%rem3A_265, %dma_wait3A_268, %dma_wait3A_269] : memref<2x128x128xf32, #tpu.memory_space<vmem>> -> memref<1x128x128xf32, #tpu.memory_space<vmem>>
          %dma_wait3A_271 = tpu.memref_squeeze %dma_wait3A_270 : memref<1x128x128xf32, #tpu.memory_space<vmem>> -> memref<128x128xf32, #tpu.memory_space<vmem>>
          %dma_wait3A_272 = arith.constant 0 : i32
          %dma_wait3A_273 = tpu.memref_slice %arg4[%mul3A_267, %dma_wait3A_272] : memref<81920x128xf32, #tpu.memory_space<hbm>> -> memref<128x128xf32, #tpu.memory_space<hbm>>
          %dma_wait3A_274 = tpu.memref_slice %run_scoped3A_9[%rem3A_265] : memref<2x!tpu.dma_semaphore, #tpu.memory_space<semaphore_mem>> -> memref<1x!tpu.dma_semaphore, #tpu.memory_space<semaphore_mem>>
          %dma_wait3A_275 = tpu.memref_squeeze %dma_wait3A_274 : memref<1x!tpu.dma_semaphore, #tpu.memory_space<semaphore_mem>> -> memref<!tpu.dma_semaphore, #tpu.memory_space<semaphore_mem>>
          %dma_wait3A_276 = arith.constant 0 : i32
          %dma_wait3A_277 = tpu.memref_slice %arg4[%mul3A_267, %dma_wait3A_276] : memref<81920x128xf32, #tpu.memory_space<hbm>> -> memref<128x128xf32, #tpu.memory_space<hbm>>
          %dma_wait3A_278 = arith.constant 0 : i32
          %dma_wait3A_279 = arith.constant 0 : i32
          %dma_wait3A_280 = tpu.memref_slice %run_scoped3A_8[%rem3A_265, %dma_wait3A_278, %dma_wait3A_279] : memref<2x128x128xf32, #tpu.memory_space<vmem>> -> memref<1x128x128xf32, #tpu.memory_space<vmem>>
          %dma_wait3A_281 = tpu.memref_squeeze %dma_wait3A_280 : memref<1x128x128xf32, #tpu.memory_space<vmem>> -> memref<128x128xf32, #tpu.memory_space<vmem>>
          tpu.wait_dma2 semaphore(%dma_wait3A_275 : memref<!tpu.dma_semaphore, #tpu.memory_space<semaphore_mem>>) src(%dma_wait3A_281 : memref<128x128xf32, #tpu.memory_space<vmem>>) dst(%dma_wait3A_277 : memref<128x128xf32, #tpu.memory_space<hbm>>)
          "tpu.trace_stop"() : () -> ()
        } else {
        }
        %and3A_244 = arith.constant true
        %and3A_245 = arith.andi %and3A_240, %and3A_244 : i1
        %add3A_246 = arith.constant 1 : i32
        %add3A_247 = arith.addi %scan3A_125, %add3A_246 : i32
        %select_n3A_248 = arith.select %and3A_245, %add3A_247, %scan3A_125 : i32
        %ne3A_249 = arith.cmpi ne, %add3A_131, %add3A_149 : i32
        %or3A_250 = arith.constant false
        %or3A_251 = arith.ori %or3A_250, %ne3A_249 : i1
        %or3A_252 = arith.ori %or3A_251, %eq3A_130 : i1
        %add3A_253 = arith.constant 1 : i32
        %add3A_254 = arith.addi %scan3A_123, %add3A_253 : i32
        %select_n3A_255 = arith.select %or3A_252, %add3A_254, %scan3A_123 : i32
        %add3A_256 = arith.constant 1 : i32
        %add3A_257 = arith.addi %scan3A_126, %add3A_256 : i32
        %select_n3A_258 = arith.constant true
        %select_n3A_259 = arith.select %select_n3A_258, %add3A_257, %scan3A_126 : i32
        %eq3A_260 = arith.constant 20 : i32
        %eq3A_261 = arith.cmpi eq, %select_n3A_259, %eq3A_260 : i32
        %select_n3A_262 = arith.constant 0 : i32
        %select_n3A_263 = arith.select %eq3A_261, %select_n3A_262, %select_n3A_259 : i32
        scf.yield %select_n3A_167, %select_n3A_255, %select_n3A_221, %select_n3A_248, %select_n3A_263 : i32, i32, i32, i32, i32
      }
      %scan3A_68 = arith.constant 20 : i32
      %sub3A = arith.constant 1 : i32
      %sub3A_69 = arith.subi %scan3A_67#4, %sub3A : i32
      %select_n3A_70 = arith.constant true
      %select_n3A_71 = arith.select %select_n3A_70, %sub3A_69, %scan3A_67#4 : i32
      %eq3A_72 = arith.constant -1 : i32
      %eq3A_73 = arith.cmpi eq, %select_n3A_71, %eq3A_72 : i32
      %select_n3A_74 = arith.constant 19 : i32
      %select_n3A_75 = arith.select %eq3A_73, %select_n3A_74, %select_n3A_71 : i32
      %add3A_76 = arith.addi %select_n3A_75, %mul3A_6 : i32
      %sub3A_77 = arith.constant 1 : i32
      %sub3A_78 = arith.subi %select_n3A_75, %sub3A_77 : i32
      %select_n3A_79 = arith.constant true
      %select_n3A_80 = arith.select %select_n3A_79, %sub3A_78, %select_n3A_75 : i32
      %eq3A_81 = arith.constant -1 : i32
      %eq3A_82 = arith.cmpi eq, %select_n3A_80, %eq3A_81 : i32
      %select_n3A_83 = arith.constant 19 : i32
      %select_n3A_84 = arith.select %eq3A_82, %select_n3A_83, %select_n3A_80 : i32
      %add3A_85 = arith.addi %select_n3A_84, %mul3A_6 : i32
      %add3A_86 = arith.constant 1 : i32
      %add3A_87 = arith.addi %select_n3A_75, %add3A_86 : i32
      %select_n3A_88 = arith.constant true
      %select_n3A_89 = arith.select %select_n3A_88, %add3A_87, %select_n3A_75 : i32
      %eq3A_90 = arith.constant 20 : i32
      %eq3A_91 = arith.cmpi eq, %select_n3A_89, %eq3A_90 : i32
      %select_n3A_92 = arith.constant 0 : i32
      %select_n3A_93 = arith.select %eq3A_91, %select_n3A_92, %select_n3A_89 : i32
      %add3A_94 = arith.addi %select_n3A_93, %mul3A_6 : i32
      %add3A_95 = arith.constant 1 : i32
      %add3A_96 = arith.addi %select_n3A_93, %add3A_95 : i32
      %select_n3A_97 = arith.constant true
      %select_n3A_98 = arith.select %select_n3A_97, %add3A_96, %select_n3A_93 : i32
      %eq3A_99 = arith.constant 20 : i32
      %eq3A_100 = arith.cmpi eq, %select_n3A_98, %eq3A_99 : i32
      %select_n3A_101 = arith.constant 0 : i32
      %select_n3A_102 = arith.select %eq3A_100, %select_n3A_101, %select_n3A_98 : i32
      %add3A_103 = arith.addi %select_n3A_102, %mul3A_6 : i32
      "tpu.trace_start"() <{level = 10 : i32, message = "ep_finalize"}> : () -> ()
      %rem3A_104 = arith.constant 2 : i32
      %rem3A_105 = arith.remui %scan3A_67#3, %rem3A_104 : i32
      %mul3A_106 = arith.constant 128 : i32
      %mul3A_107 = arith.muli %mul3A_106, %add3A_76 : i32
      %dma_wait3A = arith.constant 0 : i32
      %dma_wait3A_108 = arith.constant 0 : i32
      %dma_wait3A_109 = tpu.memref_slice %run_scoped3A_8[%rem3A_105, %dma_wait3A, %dma_wait3A_108] : memref<2x128x128xf32, #tpu.memory_space<vmem>> -> memref<1x128x128xf32, #tpu.memory_space<vmem>>
      %dma_wait3A_110 = tpu.memref_squeeze %dma_wait3A_109 : memref<1x128x128xf32, #tpu.memory_space<vmem>> -> memref<128x128xf32, #tpu.memory_space<vmem>>
      %dma_wait3A_111 = arith.constant 0 : i32
      %dma_wait3A_112 = tpu.memref_slice %arg4[%mul3A_107, %dma_wait3A_111] : memref<81920x128xf32, #tpu.memory_space<hbm>> -> memref<128x128xf32, #tpu.memory_space<hbm>>
      %dma_wait3A_113 = tpu.memref_slice %run_scoped3A_9[%rem3A_105] : memref<2x!tpu.dma_semaphore, #tpu.memory_space<semaphore_mem>> -> memref<1x!tpu.dma_semaphore, #tpu.memory_space<semaphore_mem>>
      %dma_wait3A_114 = tpu.memref_squeeze %dma_wait3A_113 : memref<1x!tpu.dma_semaphore, #tpu.memory_space<semaphore_mem>> -> memref<!tpu.dma_semaphore, #tpu.memory_space<semaphore_mem>>
      %dma_wait3A_115 = arith.constant 0 : i32
      %dma_wait3A_116 = tpu.memref_slice %arg4[%mul3A_107, %dma_wait3A_115] : memref<81920x128xf32, #tpu.memory_space<hbm>> -> memref<128x128xf32, #tpu.memory_space<hbm>>
      %dma_wait3A_117 = arith.constant 0 : i32
      %dma_wait3A_118 = arith.constant 0 : i32
      %dma_wait3A_119 = tpu.memref_slice %run_scoped3A_8[%rem3A_105, %dma_wait3A_117, %dma_wait3A_118] : memref<2x128x128xf32, #tpu.memory_space<vmem>> -> memref<1x128x128xf32, #tpu.memory_space<vmem>>
      %dma_wait3A_120 = tpu.memref_squeeze %dma_wait3A_119 : memref<1x128x128xf32, #tpu.memory_space<vmem>> -> memref<128x128xf32, #tpu.memory_space<vmem>>
      tpu.wait_dma2 semaphore(%dma_wait3A_114 : memref<!tpu.dma_semaphore, #tpu.memory_space<semaphore_mem>>) src(%dma_wait3A_120 : memref<128x128xf32, #tpu.memory_space<vmem>>) dst(%dma_wait3A_116 : memref<128x128xf32, #tpu.memory_space<hbm>>)
      "tpu.trace_stop"() : () -> ()
      tpu.yield
    }) : () -> ()
    return
  }
}

module attributes {stable_mosaic.version = 14 : i64} {
  func.func @_sim_body(%arg0: i32, %arg1: i32, %arg2: memref<4096x32xbf16, #tpu.memory_space<vmem>>, %arg3: memref<32x256xbf16, #tpu.memory_space<vmem>>, %arg4: memref<4096x1xf32, #tpu.memory_space<vmem>>, %arg5: memref<1x256xf32, #tpu.memory_space<vmem>>, %arg6: memref<256x32x128xf32, #tpu.memory_space<vmem>>, %arg7: memref<1x256xf32, #tpu.memory_space<vmem>>, %arg8: memref<256x5xi32, #tpu.memory_space<vmem>>, %arg9: memref<1x256xf32, #tpu.memory_space<vmem>>, %arg10: memref<4x32x256xf32, #tpu.memory_space<vmem>>) attributes {dimension_semantics = [#tpu.dimension_semantics<parallel>, #tpu.dimension_semantics<arbitrary>], iteration_bounds = array<i64: 64, 4>, scalar_prefetch = 0 : i64, scratch_operands = 2 : i64, tpu.core_type = #tpu.core_type<tc>, window_params = [{transform_indices = @transform_0, window_bounds = array<i64: 4096, 32>}, {transform_indices = @transform_1, window_bounds = array<i64: 32, 256>}, {transform_indices = @transform_2, window_bounds = array<i64: 4096, 1>}, {transform_indices = @transform_3, window_bounds = array<i64: 1, 256>}, {transform_indices = @transform_4, window_bounds = array<i64: 256, 32, 128>}, {transform_indices = @transform_5, window_bounds = array<i64: 1, 256>}, {transform_indices = @transform_6, window_bounds = array<i64: 256, 5>}]} {
    %get3A = arith.constant 0 : index
    %get3A_0 = arith.constant 0 : index
    %get3A_1 = vector.load %arg2[%get3A, %get3A_0] : memref<4096x32xbf16, #tpu.memory_space<vmem>>, vector<4096x32xbf16>
    %get3A_2 = arith.constant 0 : index
    %get3A_3 = arith.constant 0 : index
    %get3A_4 = vector.load %arg3[%get3A_2, %get3A_3] : memref<32x256xbf16, #tpu.memory_space<vmem>>, vector<32x256xbf16>
    %dot_general3A = arith.constant dense<0.000000e+00> : vector<4096x256xf32>
    %dot_general3A_5 = tpu.matmul %get3A_1, %get3A_4, %dot_general3A {dimension_numbers = #tpu.dot_dimension_numbers<[1], [0], [0], [1], [0, 0, 1, 1], [], []>, transpose_lhs_hint = false} : vector<4096x32xbf16>, vector<32x256xbf16>, vector<4096x256xf32> -> vector<4096x256xf32>
    %get3A_6 = arith.constant 0 : index
    %get3A_7 = arith.constant 0 : index
    %get3A_8 = vector.load %arg4[%get3A_6, %get3A_7] : memref<4096x1xf32, #tpu.memory_space<vmem>>, vector<4096x1xf32>
    %div3A = arith.constant 1.000000e+00 : f32
    %div3A_9 = vector.broadcast %div3A : f32 to vector<4096x1xf32>
    %div3A_10 = arith.divf %div3A_9, %get3A_8 : vector<4096x1xf32>
    %mul3A = vector.broadcast %div3A_10 : vector<4096x1xf32> to vector<4096x256xf32>
    %mul3A_11 = arith.mulf %dot_general3A_5, %mul3A : vector<4096x256xf32>
    %get3A_12 = arith.constant 0 : index
    %get3A_13 = arith.constant 0 : index
    %get3A_14 = vector.load %arg5[%get3A_12, %get3A_13] : memref<1x256xf32, #tpu.memory_space<vmem>>, vector<1x256xf32>
    %div3A_15 = arith.constant 1.000000e+00 : f32
    %div3A_16 = vector.broadcast %div3A_15 : f32 to vector<1x256xf32>
    %div3A_17 = arith.divf %div3A_16, %get3A_14 : vector<1x256xf32>
    %mul3A_18 = vector.broadcast %div3A_17 : vector<1x256xf32> to vector<4096x256xf32>
    %mul3A_19 = arith.mulf %mul3A_11, %mul3A_18 : vector<4096x256xf32>
    %transpose3A = tpu.transpose %mul3A_19, [1, 0] : vector<4096x256xf32> -> vector<256x4096xf32>
    %reshape3A = vector.shape_cast %transpose3A : vector<256x4096xf32> to vector<256x32x128xf32>
    %swap3A = arith.constant 0 : index
    %swap3A_20 = arith.constant 0 : index
    %swap3A_21 = arith.constant 0 : index
    %swap3A_22 = vector.load %arg6[%swap3A, %swap3A_20, %swap3A_21] : memref<256x32x128xf32, #tpu.memory_space<vmem>>, vector<256x32x128xf32>
    tpu.vector_store %arg6[%swap3A, %swap3A_20, %swap3A_21], %reshape3A {strides = array<i32>} : memref<256x32x128xf32, #tpu.memory_space<vmem>>, vector<256x32x128xf32>,
    %reshape3A_23 = vector.shape_cast %mul3A_19 : vector<4096x256xf32> to vector<32x128x256xf32>
    %reduce_max3A = arith.constant dense<0xFF800000> : vector<32x256xf32>
    %reduce_max3A_24 = vector.multi_reduction <maximumf>, %reshape3A_23, %reduce_max3A [1] : vector<32x128x256xf32> to vector<32x256xf32>
    %swap3A_25 = arith.index_cast %arg1 : i32 to index
    %swap3A_26 = arith.constant 0 : index
    %swap3A_27 = arith.constant 0 : index
    %swap3A_28 = vector.load %arg10[%swap3A_25, %swap3A_26, %swap3A_27] : memref<4x32x256xf32, #tpu.memory_space<vmem>>, vector<1x32x256xf32>
    %swap3A_29 = vector.shape_cast %swap3A_28 : vector<1x32x256xf32> to vector<32x256xf32>
    %swap3A_30 = vector.shape_cast %reduce_max3A_24 : vector<32x256xf32> to vector<1x32x256xf32>
    tpu.vector_store %arg10[%swap3A_25, %swap3A_26, %swap3A_27], %swap3A_30 {strides = array<i32>} : memref<4x32x256xf32, #tpu.memory_space<vmem>>, vector<1x32x256xf32>,
    %eq3A = arith.constant 0 : i32
    %eq3A_31 = arith.cmpi eq, %arg1, %eq3A : i32
    %convert_element_type3A = arith.extui %eq3A_31 : i1 to i32
    %cond3A = arith.constant 0 : i32
    %cond3A_32 = arith.cmpi ne, %convert_element_type3A, %cond3A : i32
    scf.if %cond3A_32 {
      %broadcast_in_dim3A_45 = arith.constant 0.000000e+00 : f32
      %broadcast_in_dim3A_46 = vector.broadcast %broadcast_in_dim3A_45 : f32 to vector<1x256xf32>
      %swap3A_47 = arith.constant 0 : index
      %swap3A_48 = arith.constant 0 : index
      %swap3A_49 = vector.load %arg9[%swap3A_47, %swap3A_48] : memref<1x256xf32, #tpu.memory_space<vmem>>, vector<1x256xf32>
      tpu.vector_store %arg9[%swap3A_47, %swap3A_48], %broadcast_in_dim3A_46 {strides = array<i32>} : memref<1x256xf32, #tpu.memory_space<vmem>>, vector<1x256xf32>,
    } else {
    }
    %get3A_33 = arith.constant 0 : index
    %get3A_34 = arith.constant 0 : index
    %get3A_35 = vector.load %arg9[%get3A_33, %get3A_34] : memref<1x256xf32, #tpu.memory_space<vmem>>, vector<1x256xf32>
    %exp3A = math.exp %mul3A_19 : vector<4096x256xf32>
    %reduce_sum3A = arith.constant dense<0.000000e+00> : vector<256xf32>
    %reduce_sum3A_36 = vector.multi_reduction <add>, %exp3A, %reduce_sum3A [0] : vector<4096x256xf32> to vector<256xf32>
    %broadcast_in_dim3A = vector.shape_cast %reduce_sum3A_36 : vector<256xf32> to vector<1x256xf32>
    %add3A = arith.addf %get3A_35, %broadcast_in_dim3A : vector<1x256xf32>
    %swap3A_37 = arith.constant 0 : index
    %swap3A_38 = arith.constant 0 : index
    %swap3A_39 = vector.load %arg9[%swap3A_37, %swap3A_38] : memref<1x256xf32, #tpu.memory_space<vmem>>, vector<1x256xf32>
    tpu.vector_store %arg9[%swap3A_37, %swap3A_38], %add3A {strides = array<i32>} : memref<1x256xf32, #tpu.memory_space<vmem>>, vector<1x256xf32>,
    %eq3A_40 = arith.constant 3 : i32
    %eq3A_41 = arith.cmpi eq, %arg1, %eq3A_40 : i32
    %convert_element_type3A_42 = arith.extui %eq3A_41 : i1 to i32
    %cond3A_43 = arith.constant 0 : i32
    %cond3A_44 = arith.cmpi ne, %convert_element_type3A_42, %cond3A_43 : i32
    scf.if %cond3A_44 {
      %get3A_45 = arith.constant 0 : index
      %get3A_46 = arith.constant 0 : index
      %get3A_47 = vector.load %arg9[%get3A_45, %get3A_46] : memref<1x256xf32, #tpu.memory_space<vmem>>, vector<1x256xf32>
      %swap3A_48 = arith.constant 0 : index
      %swap3A_49 = arith.constant 0 : index
      %swap3A_50 = vector.load %arg7[%swap3A_48, %swap3A_49] : memref<1x256xf32, #tpu.memory_space<vmem>>, vector<1x256xf32>
      tpu.vector_store %arg7[%swap3A_48, %swap3A_49], %get3A_47 {strides = array<i32>} : memref<1x256xf32, #tpu.memory_space<vmem>>, vector<1x256xf32>,
      %get3A_51 = arith.constant 0 : index
      %get3A_52 = arith.constant 0 : index
      %get3A_53 = arith.constant 0 : index
      %get3A_54 = vector.load %arg10[%get3A_51, %get3A_52, %get3A_53] : memref<4x32x256xf32, #tpu.memory_space<vmem>>, vector<4x32x256xf32>
      %iota3A = tpu.iota {dimensions = array<i32: 0>} : vector<4x32x256xi32>
      %mul3A_55 = arith.constant 32 : i32
      %mul3A_56 = vector.broadcast %mul3A_55 : i32 to vector<4x32x256xi32>
      %mul3A_57 = arith.muli %iota3A, %mul3A_56 : vector<4x32x256xi32>
      %iota3A_58 = tpu.iota {dimensions = array<i32: 1>} : vector<4x32x256xi32>
      %add3A_59 = arith.addi %mul3A_57, %iota3A_58 : vector<4x32x256xi32>
      %reduce_max3A_60 = arith.constant dense<0xFF800000> : vector<32x256xf32>
      %reduce_max3A_61 = vector.multi_reduction <maximumf>, %get3A_54, %reduce_max3A_60 [0] : vector<4x32x256xf32> to vector<32x256xf32>
      %reduce_max3A_62 = arith.constant dense<0xFF800000> : vector<256xf32>
      %reduce_max3A_63 = vector.multi_reduction <maximumf>, %reduce_max3A_61, %reduce_max3A_62 [0] : vector<32x256xf32> to vector<256xf32>
      %broadcast_in_dim3A_64 = vector.shape_cast %reduce_max3A_63 : vector<256xf32> to vector<1x256xf32>
      %broadcast_in_dim3A_65 = vector.shape_cast %broadcast_in_dim3A_64 : vector<1x256xf32> to vector<1x1x256xf32>
      %ge3A = vector.broadcast %broadcast_in_dim3A_65 : vector<1x1x256xf32> to vector<4x32x256xf32>
      %ge3A_66 = arith.cmpf oge, %get3A_54, %ge3A : vector<4x32x256xf32>
      %jit3A = arith.constant 128 : i32
      %broadcast_in_dim3A_67 = vector.broadcast %jit3A : i32 to vector<4x32x256xi32>
      %select_n3A = arith.select %ge3A_66, %add3A_59, %broadcast_in_dim3A_67 : vector<4x32x256xi1>, vector<4x32x256xi32>
      %reduce_min3A = arith.constant dense<2147483647> : vector<32x256xi32>
      %reduce_min3A_68 = vector.multi_reduction <minsi>, %select_n3A, %reduce_min3A [0] : vector<4x32x256xi32> to vector<32x256xi32>
      %reduce_min3A_69 = arith.constant dense<2147483647> : vector<256xi32>
      %reduce_min3A_70 = vector.multi_reduction <minsi>, %reduce_min3A_68, %reduce_min3A_69 [0] : vector<32x256xi32> to vector<256xi32>
      %broadcast_in_dim3A_71 = vector.shape_cast %reduce_min3A_70 : vector<256xi32> to vector<1x256xi32>
      %broadcast_in_dim3A_72 = vector.shape_cast %broadcast_in_dim3A_71 : vector<1x256xi32> to vector<1x1x256xi32>
      %eq3A_73 = vector.broadcast %broadcast_in_dim3A_72 : vector<1x1x256xi32> to vector<4x32x256xi32>
      %eq3A_74 = arith.cmpi eq, %add3A_59, %eq3A_73 : vector<4x32x256xi32>
      %jit3A_75 = arith.constant -3.000000e+38 : f32
      %broadcast_in_dim3A_76 = vector.broadcast %jit3A_75 : f32 to vector<4x32x256xf32>
      %select_n3A_77 = arith.select %eq3A_74, %broadcast_in_dim3A_76, %get3A_54 : vector<4x32x256xi1>, vector<4x32x256xf32>
      %reduce_max3A_78 = arith.constant dense<0xFF800000> : vector<32x256xf32>
      %reduce_max3A_79 = vector.multi_reduction <maximumf>, %select_n3A_77, %reduce_max3A_78 [0] : vector<4x32x256xf32> to vector<32x256xf32>
      %reduce_max3A_80 = arith.constant dense<0xFF800000> : vector<256xf32>
      %reduce_max3A_81 = vector.multi_reduction <maximumf>, %reduce_max3A_79, %reduce_max3A_80 [0] : vector<32x256xf32> to vector<256xf32>
      %broadcast_in_dim3A_82 = vector.shape_cast %reduce_max3A_81 : vector<256xf32> to vector<1x256xf32>
      %broadcast_in_dim3A_83 = vector.shape_cast %broadcast_in_dim3A_82 : vector<1x256xf32> to vector<1x1x256xf32>
      %ge3A_84 = vector.broadcast %broadcast_in_dim3A_83 : vector<1x1x256xf32> to vector<4x32x256xf32>
      %ge3A_85 = arith.cmpf oge, %select_n3A_77, %ge3A_84 : vector<4x32x256xf32>
      %jit3A_86 = arith.constant 128 : i32
      %broadcast_in_dim3A_87 = vector.broadcast %jit3A_86 : i32 to vector<4x32x256xi32>
      %select_n3A_88 = arith.select %ge3A_85, %add3A_59, %broadcast_in_dim3A_87 : vector<4x32x256xi1>, vector<4x32x256xi32>
      %reduce_min3A_89 = arith.constant dense<2147483647> : vector<32x256xi32>
      %reduce_min3A_90 = vector.multi_reduction <minsi>, %select_n3A_88, %reduce_min3A_89 [0] : vector<4x32x256xi32> to vector<32x256xi32>
      %reduce_min3A_91 = arith.constant dense<2147483647> : vector<256xi32>
      %reduce_min3A_92 = vector.multi_reduction <minsi>, %reduce_min3A_90, %reduce_min3A_91 [0] : vector<32x256xi32> to vector<256xi32>
      %broadcast_in_dim3A_93 = vector.shape_cast %reduce_min3A_92 : vector<256xi32> to vector<1x256xi32>
      %broadcast_in_dim3A_94 = vector.shape_cast %broadcast_in_dim3A_93 : vector<1x256xi32> to vector<1x1x256xi32>
      %eq3A_95 = vector.broadcast %broadcast_in_dim3A_94 : vector<1x1x256xi32> to vector<4x32x256xi32>
      %eq3A_96 = arith.cmpi eq, %add3A_59, %eq3A_95 : vector<4x32x256xi32>
      %jit3A_97 = arith.constant -3.000000e+38 : f32
      %broadcast_in_dim3A_98 = vector.broadcast %jit3A_97 : f32 to vector<4x32x256xf32>
      %select_n3A_99 = arith.select %eq3A_96, %broadcast_in_dim3A_98, %select_n3A_77 : vector<4x32x256xi1>, vector<4x32x256xf32>
      %reduce_max3A_100 = arith.constant dense<0xFF800000> : vector<32x256xf32>
      %reduce_max3A_101 = vector.multi_reduction <maximumf>, %select_n3A_99, %reduce_max3A_100 [0] : vector<4x32x256xf32> to vector<32x256xf32>
      %reduce_max3A_102 = arith.constant dense<0xFF800000> : vector<256xf32>
      %reduce_max3A_103 = vector.multi_reduction <maximumf>, %reduce_max3A_101, %reduce_max3A_102 [0] : vector<32x256xf32> to vector<256xf32>
      %broadcast_in_dim3A_104 = vector.shape_cast %reduce_max3A_103 : vector<256xf32> to vector<1x256xf32>
      %broadcast_in_dim3A_105 = vector.shape_cast %broadcast_in_dim3A_104 : vector<1x256xf32> to vector<1x1x256xf32>
      %ge3A_106 = vector.broadcast %broadcast_in_dim3A_105 : vector<1x1x256xf32> to vector<4x32x256xf32>
      %ge3A_107 = arith.cmpf oge, %select_n3A_99, %ge3A_106 : vector<4x32x256xf32>
      %jit3A_108 = arith.constant 128 : i32
      %broadcast_in_dim3A_109 = vector.broadcast %jit3A_108 : i32 to vector<4x32x256xi32>
      %select_n3A_110 = arith.select %ge3A_107, %add3A_59, %broadcast_in_dim3A_109 : vector<4x32x256xi1>, vector<4x32x256xi32>
      %reduce_min3A_111 = arith.constant dense<2147483647> : vector<32x256xi32>
      %reduce_min3A_112 = vector.multi_reduction <minsi>, %select_n3A_110, %reduce_min3A_111 [0] : vector<4x32x256xi32> to vector<32x256xi32>
      %reduce_min3A_113 = arith.constant dense<2147483647> : vector<256xi32>
      %reduce_min3A_114 = vector.multi_reduction <minsi>, %reduce_min3A_112, %reduce_min3A_113 [0] : vector<32x256xi32> to vector<256xi32>
      %broadcast_in_dim3A_115 = vector.shape_cast %reduce_min3A_114 : vector<256xi32> to vector<1x256xi32>
      %broadcast_in_dim3A_116 = vector.shape_cast %broadcast_in_dim3A_115 : vector<1x256xi32> to vector<1x1x256xi32>
      %eq3A_117 = vector.broadcast %broadcast_in_dim3A_116 : vector<1x1x256xi32> to vector<4x32x256xi32>
      %eq3A_118 = arith.cmpi eq, %add3A_59, %eq3A_117 : vector<4x32x256xi32>
      %jit3A_119 = arith.constant -3.000000e+38 : f32
      %broadcast_in_dim3A_120 = vector.broadcast %jit3A_119 : f32 to vector<4x32x256xf32>
      %select_n3A_121 = arith.select %eq3A_118, %broadcast_in_dim3A_120, %select_n3A_99 : vector<4x32x256xi1>, vector<4x32x256xf32>
      %reduce_max3A_122 = arith.constant dense<0xFF800000> : vector<32x256xf32>
      %reduce_max3A_123 = vector.multi_reduction <maximumf>, %select_n3A_121, %reduce_max3A_122 [0] : vector<4x32x256xf32> to vector<32x256xf32>
      %reduce_max3A_124 = arith.constant dense<0xFF800000> : vector<256xf32>
      %reduce_max3A_125 = vector.multi_reduction <maximumf>, %reduce_max3A_123, %reduce_max3A_124 [0] : vector<32x256xf32> to vector<256xf32>
      %broadcast_in_dim3A_126 = vector.shape_cast %reduce_max3A_125 : vector<256xf32> to vector<1x256xf32>
      %broadcast_in_dim3A_127 = vector.shape_cast %broadcast_in_dim3A_126 : vector<1x256xf32> to vector<1x1x256xf32>
      %ge3A_128 = vector.broadcast %broadcast_in_dim3A_127 : vector<1x1x256xf32> to vector<4x32x256xf32>
      %ge3A_129 = arith.cmpf oge, %select_n3A_121, %ge3A_128 : vector<4x32x256xf32>
      %jit3A_130 = arith.constant 128 : i32
      %broadcast_in_dim3A_131 = vector.broadcast %jit3A_130 : i32 to vector<4x32x256xi32>
      %select_n3A_132 = arith.select %ge3A_129, %add3A_59, %broadcast_in_dim3A_131 : vector<4x32x256xi1>, vector<4x32x256xi32>
      %reduce_min3A_133 = arith.constant dense<2147483647> : vector<32x256xi32>
      %reduce_min3A_134 = vector.multi_reduction <minsi>, %select_n3A_132, %reduce_min3A_133 [0] : vector<4x32x256xi32> to vector<32x256xi32>
      %reduce_min3A_135 = arith.constant dense<2147483647> : vector<256xi32>
      %reduce_min3A_136 = vector.multi_reduction <minsi>, %reduce_min3A_134, %reduce_min3A_135 [0] : vector<32x256xi32> to vector<256xi32>
      %broadcast_in_dim3A_137 = vector.shape_cast %reduce_min3A_136 : vector<256xi32> to vector<1x256xi32>
      %broadcast_in_dim3A_138 = vector.shape_cast %broadcast_in_dim3A_137 : vector<1x256xi32> to vector<1x1x256xi32>
      %eq3A_139 = vector.broadcast %broadcast_in_dim3A_138 : vector<1x1x256xi32> to vector<4x32x256xi32>
      %eq3A_140 = arith.cmpi eq, %add3A_59, %eq3A_139 : vector<4x32x256xi32>
      %jit3A_141 = arith.constant -3.000000e+38 : f32
      %broadcast_in_dim3A_142 = vector.broadcast %jit3A_141 : f32 to vector<4x32x256xf32>
      %select_n3A_143 = arith.select %eq3A_140, %broadcast_in_dim3A_142, %select_n3A_121 : vector<4x32x256xi1>, vector<4x32x256xf32>
      %reduce_max3A_144 = arith.constant dense<0xFF800000> : vector<32x256xf32>
      %reduce_max3A_145 = vector.multi_reduction <maximumf>, %select_n3A_143, %reduce_max3A_144 [0] : vector<4x32x256xf32> to vector<32x256xf32>
      %reduce_max3A_146 = arith.constant dense<0xFF800000> : vector<256xf32>
      %reduce_max3A_147 = vector.multi_reduction <maximumf>, %reduce_max3A_145, %reduce_max3A_146 [0] : vector<32x256xf32> to vector<256xf32>
      %broadcast_in_dim3A_148 = vector.shape_cast %reduce_max3A_147 : vector<256xf32> to vector<1x256xf32>
      %broadcast_in_dim3A_149 = vector.shape_cast %broadcast_in_dim3A_148 : vector<1x256xf32> to vector<1x1x256xf32>
      %ge3A_150 = vector.broadcast %broadcast_in_dim3A_149 : vector<1x1x256xf32> to vector<4x32x256xf32>
      %ge3A_151 = arith.cmpf oge, %select_n3A_143, %ge3A_150 : vector<4x32x256xf32>
      %jit3A_152 = arith.constant 128 : i32
      %broadcast_in_dim3A_153 = vector.broadcast %jit3A_152 : i32 to vector<4x32x256xi32>
      %select_n3A_154 = arith.select %ge3A_151, %add3A_59, %broadcast_in_dim3A_153 : vector<4x32x256xi1>, vector<4x32x256xi32>
      %reduce_min3A_155 = arith.constant dense<2147483647> : vector<32x256xi32>
      %reduce_min3A_156 = vector.multi_reduction <minsi>, %select_n3A_154, %reduce_min3A_155 [0] : vector<4x32x256xi32> to vector<32x256xi32>
      %reduce_min3A_157 = arith.constant dense<2147483647> : vector<256xi32>
      %reduce_min3A_158 = vector.multi_reduction <minsi>, %reduce_min3A_156, %reduce_min3A_157 [0] : vector<32x256xi32> to vector<256xi32>
      %broadcast_in_dim3A_159 = vector.shape_cast %reduce_min3A_158 : vector<256xi32> to vector<1x256xi32>
      %concatenate3A = tpu.concatenate %broadcast_in_dim3A_71, %broadcast_in_dim3A_93, %broadcast_in_dim3A_115, %broadcast_in_dim3A_137, %broadcast_in_dim3A_159 in 0 : vector<1x256xi32>, vector<1x256xi32>, vector<1x256xi32>, vector<1x256xi32>, vector<1x256xi32> -> vector<5x256xi32>
      %transpose3A_160 = tpu.transpose %concatenate3A, [1, 0] : vector<5x256xi32> -> vector<256x5xi32>
      %mul3A_161 = arith.constant 256 : i32
      %mul3A_162 = arith.muli %arg0, %mul3A_161 : i32
      %iota3A_163 = tpu.iota {dimensions = array<i32: 0>} : vector<256x5xi32>
      %add3A_164 = vector.broadcast %mul3A_162 : i32 to vector<256x5xi32>
      %add3A_165 = arith.addi %add3A_164, %iota3A_163 : vector<256x5xi32>
      %mul3A_166 = arith.constant 128 : i32
      %mul3A_167 = vector.broadcast %mul3A_166 : i32 to vector<256x5xi32>
      %mul3A_168 = arith.muli %add3A_165, %mul3A_167 : vector<256x5xi32>
      %add3A_169 = arith.addi %mul3A_168, %transpose3A_160 : vector<256x5xi32>
      %swap3A_170 = arith.constant 0 : index
      %swap3A_171 = arith.constant 0 : index
      %swap3A_172 = vector.load %arg8[%swap3A_170, %swap3A_171] : memref<256x5xi32, #tpu.memory_space<vmem>>, vector<256x5xi32>
      tpu.vector_store %arg8[%swap3A_170, %swap3A_171], %add3A_169 {strides = array<i32>} : memref<256x5xi32, #tpu.memory_space<vmem>>, vector<256x5xi32>,
    } else {
    }
    return
  }
  func.func @transform_0(%arg0: i32, %arg1: i32) -> (i32, i32) {
    %c0_i32 = arith.constant 0 : i32
    %c0_i32_0 = arith.constant 0 : i32
    return %arg1, %c0_i32 : i32, i32
  }
  func.func @transform_1(%arg0: i32, %arg1: i32) -> (i32, i32) {
    %c0_i32 = arith.constant 0 : i32
    %c0_i32_0 = arith.constant 0 : i32
    return %c0_i32, %arg0 : i32, i32
  }
  func.func @transform_2(%arg0: i32, %arg1: i32) -> (i32, i32) {
    %c0_i32 = arith.constant 0 : i32
    %c0_i32_0 = arith.constant 0 : i32
    return %arg1, %c0_i32 : i32, i32
  }
  func.func @transform_3(%arg0: i32, %arg1: i32) -> (i32, i32) {
    %c0_i32 = arith.constant 0 : i32
    %c0_i32_0 = arith.constant 0 : i32
    return %c0_i32, %arg0 : i32, i32
  }
  func.func @transform_4(%arg0: i32, %arg1: i32) -> (i32, i32, i32) {
    %c0_i32 = arith.constant 0 : i32
    %c0_i32_0 = arith.constant 0 : i32
    return %arg0, %arg1, %c0_i32 : i32, i32, i32
  }
  func.func @transform_5(%arg0: i32, %arg1: i32) -> (i32, i32) {
    %c0_i32 = arith.constant 0 : i32
    %c0_i32_0 = arith.constant 0 : i32
    return %c0_i32, %arg0 : i32, i32
  }
  func.func @transform_6(%arg0: i32, %arg1: i32) -> (i32, i32) {
    %c0_i32 = arith.constant 0 : i32
    %c0_i32_0 = arith.constant 0 : i32
    return %arg0, %c0_i32 : i32, i32
  }
}

module attributes {stable_mosaic.version = 14 : i64} {
  func.func @_prep_body(%arg0: memref<16384x32xf32, #tpu.memory_space<vmem>>, %arg1: memref<16384x32xbf16, #tpu.memory_space<vmem>>, %arg2: memref<32x16384xbf16, #tpu.memory_space<vmem>>, %arg3: memref<16384x1xf32, #tpu.memory_space<vmem>>, %arg4: memref<1x16384xf32, #tpu.memory_space<vmem>>) attributes {dimension_semantics = [], scalar_prefetch = 0 : i64, scratch_operands = 0 : i64, tpu.core_type = #tpu.core_type<tc>} {
    %get3A = arith.constant 0 : index
    %get3A_0 = arith.constant 0 : index
    %get3A_1 = vector.load %arg0[%get3A, %get3A_0] : memref<16384x32xf32, #tpu.memory_space<vmem>>, vector<16384x32xf32>
    %convert_element_type3A = arith.truncf %get3A_1 : vector<16384x32xf32> to vector<16384x32xbf16>
    %swap3A = arith.constant 0 : index
    %swap3A_2 = arith.constant 0 : index
    %swap3A_3 = vector.load %arg1[%swap3A, %swap3A_2] : memref<16384x32xbf16, #tpu.memory_space<vmem>>, vector<16384x32xbf16>
    tpu.vector_store %arg1[%swap3A, %swap3A_2], %convert_element_type3A {strides = array<i32>} : memref<16384x32xbf16, #tpu.memory_space<vmem>>, vector<16384x32xbf16>,
    %transpose3A = tpu.transpose %get3A_1, [1, 0] : vector<16384x32xf32> -> vector<32x16384xf32>
    %convert_element_type3A_4 = arith.truncf %transpose3A : vector<32x16384xf32> to vector<32x16384xbf16>
    %swap3A_5 = arith.constant 0 : index
    %swap3A_6 = arith.constant 0 : index
    %swap3A_7 = vector.load %arg2[%swap3A_5, %swap3A_6] : memref<32x16384xbf16, #tpu.memory_space<vmem>>, vector<32x16384xbf16>
    tpu.vector_store %arg2[%swap3A_5, %swap3A_6], %convert_element_type3A_4 {strides = array<i32>} : memref<32x16384xbf16, #tpu.memory_space<vmem>>, vector<32x16384xbf16>,
    %mul3A = arith.mulf %get3A_1, %get3A_1 : vector<16384x32xf32>
    %add3A = arith.constant 9.99999997E-7 : f32
    %add3A_8 = vector.broadcast %add3A : f32 to vector<16384x32xf32>
    %add3A_9 = arith.addf %mul3A, %add3A_8 : vector<16384x32xf32>
    %reduce_sum3A = arith.constant dense<0.000000e+00> : vector<16384xf32>
    %reduce_sum3A_10 = vector.multi_reduction <add>, %add3A_9, %reduce_sum3A [1] : vector<16384x32xf32> to vector<16384xf32>
    %broadcast_in_dim3A = vector.shape_cast %reduce_sum3A_10 : vector<16384xf32> to vector<16384x1xf32>
    %sqrt3A = math.sqrt %broadcast_in_dim3A : vector<16384x1xf32>
    %swap3A_11 = arith.constant 0 : index
    %swap3A_12 = arith.constant 0 : index
    %swap3A_13 = vector.load %arg3[%swap3A_11, %swap3A_12] : memref<16384x1xf32, #tpu.memory_space<vmem>>, vector<16384x1xf32>
    tpu.vector_store %arg3[%swap3A_11, %swap3A_12], %sqrt3A {strides = array<i32>} : memref<16384x1xf32, #tpu.memory_space<vmem>>, vector<16384x1xf32>,
    %mul3A_14 = arith.mulf %transpose3A, %transpose3A : vector<32x16384xf32>
    %add3A_15 = arith.constant 9.99999997E-7 : f32
    %add3A_16 = vector.broadcast %add3A_15 : f32 to vector<32x16384xf32>
    %add3A_17 = arith.addf %mul3A_14, %add3A_16 : vector<32x16384xf32>
    %reduce_sum3A_18 = arith.constant dense<0.000000e+00> : vector<16384xf32>
    %reduce_sum3A_19 = vector.multi_reduction <add>, %add3A_17, %reduce_sum3A_18 [0] : vector<32x16384xf32> to vector<16384xf32>
    %broadcast_in_dim3A_20 = vector.shape_cast %reduce_sum3A_19 : vector<16384xf32> to vector<1x16384xf32>
    %sqrt3A_21 = math.sqrt %broadcast_in_dim3A_20 : vector<1x16384xf32>
    %swap3A_22 = arith.constant 0 : index
    %swap3A_23 = arith.constant 0 : index
    %swap3A_24 = vector.load %arg4[%swap3A_22, %swap3A_23] : memref<1x16384xf32, #tpu.memory_space<vmem>>, vector<1x16384xf32>
    tpu.vector_store %arg4[%swap3A_22, %swap3A_23], %sqrt3A_21 {strides = array<i32>} : memref<1x16384xf32, #tpu.memory_space<vmem>>, vector<1x16384xf32>,
    return
  }
}

module attributes {stable_mosaic.version = 14 : i64} {
  func.func @_select_body(%arg0: i32, %arg1: memref<512x640xf32, #tpu.memory_space<vmem>>, %arg2: memref<512x5xi32, #tpu.memory_space<vmem>>, %arg3: memref<1x512xf32, #tpu.memory_space<vmem>>, %arg4: memref<512x5xf32, #tpu.memory_space<vmem>>, %arg5: memref<512x5xi32, #tpu.memory_space<vmem>>) attributes {dimension_semantics = [#tpu.dimension_semantics<parallel>], iteration_bounds = array<i64: 32>, scalar_prefetch = 0 : i64, scratch_operands = 0 : i64, tpu.core_type = #tpu.core_type<tc>, window_params = [{transform_indices = @transform_0, window_bounds = array<i64: 512, 640>}, {transform_indices = @transform_1, window_bounds = array<i64: 512, 5>}, {transform_indices = @transform_2, window_bounds = array<i64: 1, 512>}, {transform_indices = @transform_3, window_bounds = array<i64: 512, 5>}, {transform_indices = @transform_4, window_bounds = array<i64: 512, 5>}]} {
    %get3A = arith.constant 0 : index
    %get3A_0 = arith.constant 0 : index
    %get3A_1 = vector.load %arg1[%get3A, %get3A_0] : memref<512x640xf32, #tpu.memory_space<vmem>>, vector<512x640xf32>
    %iota3A = tpu.iota {dimensions = array<i32: 1>} : vector<512x640xi32>
    %mul3A = arith.constant 512 : i32
    %mul3A_2 = arith.muli %arg0, %mul3A : i32
    %iota3A_3 = tpu.iota {dimensions = array<i32: 0>} : vector<512x5xi32>
    %add3A = vector.broadcast %mul3A_2 : i32 to vector<512x5xi32>
    %add3A_4 = arith.addi %add3A, %iota3A_3 : vector<512x5xi32>
    %get3A_5 = arith.constant 0 : index
    %get3A_6 = arith.constant 0 : index
    %get3A_7 = vector.load %arg2[%get3A_5, %get3A_6] : memref<512x5xi32, #tpu.memory_space<vmem>>, vector<512x5xi32>
    %mul3A_8 = arith.constant 128 : i32
    %mul3A_9 = vector.broadcast %mul3A_8 : i32 to vector<512x5xi32>
    %mul3A_10 = arith.muli %add3A_4, %mul3A_9 : vector<512x5xi32>
    %sub3A = arith.subi %get3A_7, %mul3A_10 : vector<512x5xi32>
    %reduce_max3A = arith.constant dense<0xFF800000> : vector<512xf32>
    %reduce_max3A_11 = vector.multi_reduction <maximumf>, %get3A_1, %reduce_max3A [1] : vector<512x640xf32> to vector<512xf32>
    %broadcast_in_dim3A = vector.shape_cast %reduce_max3A_11 : vector<512xf32> to vector<512x1xf32>
    %ge3A = vector.broadcast %broadcast_in_dim3A : vector<512x1xf32> to vector<512x640xf32>
    %ge3A_12 = arith.cmpf oge, %get3A_1, %ge3A : vector<512x640xf32>
    %jit3A = arith.constant 640 : i32
    %broadcast_in_dim3A_13 = vector.broadcast %jit3A : i32 to vector<512x640xi32>
    %select_n3A = arith.select %ge3A_12, %iota3A, %broadcast_in_dim3A_13 : vector<512x640xi1>, vector<512x640xi32>
    %reduce_min3A = arith.constant dense<2147483647> : vector<512xi32>
    %reduce_min3A_14 = vector.multi_reduction <minsi>, %select_n3A, %reduce_min3A [1] : vector<512x640xi32> to vector<512xi32>
    %broadcast_in_dim3A_15 = vector.shape_cast %reduce_min3A_14 : vector<512xi32> to vector<512x1xi32>
    %jit3A_16 = arith.constant 128 : i32
    %div3A = vector.broadcast %jit3A_16 : i32 to vector<512x1xi32>
    %div3A_17 = arith.divsi %broadcast_in_dim3A_15, %div3A : vector<512x1xi32>
    %sign3A = arith.constant 0 : i32
    %sign3A_18 = vector.broadcast %sign3A : i32 to vector<512x1xi32>
    %sign3A_19 = arith.cmpi sgt, %broadcast_in_dim3A_15, %sign3A_18 : vector<512x1xi32>
    %sign3A_20 = arith.extui %sign3A_19 : vector<512x1xi1> to vector<512x1xi32>
    %sign3A_21 = arith.constant 0 : i32
    %sign3A_22 = vector.broadcast %sign3A_21 : i32 to vector<512x1xi32>
    %sign3A_23 = arith.cmpi slt, %broadcast_in_dim3A_15, %sign3A_22 : vector<512x1xi32>
    %sign3A_24 = arith.extui %sign3A_23 : vector<512x1xi1> to vector<512x1xi32>
    %sign3A_25 = arith.subi %sign3A_20, %sign3A_24 : vector<512x1xi32>
    %sign3A_26 = arith.constant 0 : i32
    %sign3A_27 = arith.cmpi sgt, %jit3A_16, %sign3A_26 : i32
    %sign3A_28 = arith.extui %sign3A_27 : i1 to i32
    %sign3A_29 = arith.constant 0 : i32
    %sign3A_30 = arith.cmpi slt, %jit3A_16, %sign3A_29 : i32
    %sign3A_31 = arith.extui %sign3A_30 : i1 to i32
    %sign3A_32 = arith.subi %sign3A_28, %sign3A_31 : i32
    %ne3A = vector.broadcast %sign3A_32 : i32 to vector<512x1xi32>
    %ne3A_33 = arith.cmpi ne, %sign3A_25, %ne3A : vector<512x1xi32>
    %rem3A = vector.broadcast %jit3A_16 : i32 to vector<512x1xi32>
    %rem3A_34 = arith.remsi %broadcast_in_dim3A_15, %rem3A : vector<512x1xi32>
    %ne3A_35 = arith.constant 0 : i32
    %ne3A_36 = vector.broadcast %ne3A_35 : i32 to vector<512x1xi32>
    %ne3A_37 = arith.cmpi ne, %rem3A_34, %ne3A_36 : vector<512x1xi32>
    %and3A = arith.andi %ne3A_33, %ne3A_37 : vector<512x1xi1>
    %sub3A_38 = arith.constant 1 : i32
    %sub3A_39 = vector.broadcast %sub3A_38 : i32 to vector<512x1xi32>
    %sub3A_40 = arith.subi %div3A_17, %sub3A_39 : vector<512x1xi32>
    %select_n3A_41 = arith.select %and3A, %sub3A_40, %div3A_17 : vector<512x1xi1>, vector<512x1xi32>
    %mul3A_42 = arith.constant 128 : i32
    %mul3A_43 = vector.broadcast %mul3A_42 : i32 to vector<512x1xi32>
    %mul3A_44 = arith.muli %select_n3A_41, %mul3A_43 : vector<512x1xi32>
    %sub3A_45 = arith.subi %broadcast_in_dim3A_15, %mul3A_44 : vector<512x1xi32>
    %broadcast_in_dim3A_46 = arith.constant 0 : i32
    %broadcast_in_dim3A_47 = vector.broadcast %broadcast_in_dim3A_46 : i32 to vector<512x1xi32>
    %eq3A = arith.constant 0 : i32
    %eq3A_48 = vector.broadcast %eq3A : i32 to vector<512x1xi32>
    %eq3A_49 = arith.cmpi eq, %select_n3A_41, %eq3A_48 : vector<512x1xi32>
    %slice3A = vector.extract_strided_slice %sub3A {offsets = [0, 0], sizes = [512, 1], strides = [1, 1]} : vector<512x5xi32> to vector<512x1xi32>
    %select_n3A_50 = arith.select %eq3A_49, %slice3A, %broadcast_in_dim3A_47 : vector<512x1xi1>, vector<512x1xi32>
    %eq3A_51 = arith.constant 1 : i32
    %eq3A_52 = vector.broadcast %eq3A_51 : i32 to vector<512x1xi32>
    %eq3A_53 = arith.cmpi eq, %select_n3A_41, %eq3A_52 : vector<512x1xi32>
    %slice3A_54 = vector.extract_strided_slice %sub3A {offsets = [0, 1], sizes = [512, 1], strides = [1, 1]} : vector<512x5xi32> to vector<512x1xi32>
    %select_n3A_55 = arith.select %eq3A_53, %slice3A_54, %select_n3A_50 : vector<512x1xi1>, vector<512x1xi32>
    %eq3A_56 = arith.constant 2 : i32
    %eq3A_57 = vector.broadcast %eq3A_56 : i32 to vector<512x1xi32>
    %eq3A_58 = arith.cmpi eq, %select_n3A_41, %eq3A_57 : vector<512x1xi32>
    %slice3A_59 = vector.extract_strided_slice %sub3A {offsets = [0, 2], sizes = [512, 1], strides = [1, 1]} : vector<512x5xi32> to vector<512x1xi32>
    %select_n3A_60 = arith.select %eq3A_58, %slice3A_59, %select_n3A_55 : vector<512x1xi1>, vector<512x1xi32>
    %eq3A_61 = arith.constant 3 : i32
    %eq3A_62 = vector.broadcast %eq3A_61 : i32 to vector<512x1xi32>
    %eq3A_63 = arith.cmpi eq, %select_n3A_41, %eq3A_62 : vector<512x1xi32>
    %slice3A_64 = vector.extract_strided_slice %sub3A {offsets = [0, 3], sizes = [512, 1], strides = [1, 1]} : vector<512x5xi32> to vector<512x1xi32>
    %select_n3A_65 = arith.select %eq3A_63, %slice3A_64, %select_n3A_60 : vector<512x1xi1>, vector<512x1xi32>
    %eq3A_66 = arith.constant 4 : i32
    %eq3A_67 = vector.broadcast %eq3A_66 : i32 to vector<512x1xi32>
    %eq3A_68 = arith.cmpi eq, %select_n3A_41, %eq3A_67 : vector<512x1xi32>
    %slice3A_69 = vector.extract_strided_slice %sub3A {offsets = [0, 4], sizes = [512, 1], strides = [1, 1]} : vector<512x5xi32> to vector<512x1xi32>
    %select_n3A_70 = arith.select %eq3A_68, %slice3A_69, %select_n3A_65 : vector<512x1xi1>, vector<512x1xi32>
    %mul3A_71 = arith.constant 128 : i32
    %mul3A_72 = vector.broadcast %mul3A_71 : i32 to vector<512x1xi32>
    %mul3A_73 = arith.muli %select_n3A_70, %mul3A_72 : vector<512x1xi32>
    %add3A_74 = arith.addi %mul3A_73, %sub3A_45 : vector<512x1xi32>
    %eq3A_75 = vector.broadcast %broadcast_in_dim3A_15 : vector<512x1xi32> to vector<512x640xi32>
    %eq3A_76 = arith.cmpi eq, %iota3A, %eq3A_75 : vector<512x640xi32>
    %jit3A_77 = arith.constant -3.000000e+38 : f32
    %broadcast_in_dim3A_78 = vector.broadcast %jit3A_77 : f32 to vector<512x640xf32>
    %select_n3A_79 = arith.select %eq3A_76, %broadcast_in_dim3A_78, %get3A_1 : vector<512x640xi1>, vector<512x640xf32>
    %reduce_max3A_80 = arith.constant dense<0xFF800000> : vector<512xf32>
    %reduce_max3A_81 = vector.multi_reduction <maximumf>, %select_n3A_79, %reduce_max3A_80 [1] : vector<512x640xf32> to vector<512xf32>
    %broadcast_in_dim3A_82 = vector.shape_cast %reduce_max3A_81 : vector<512xf32> to vector<512x1xf32>
    %ge3A_83 = vector.broadcast %broadcast_in_dim3A_82 : vector<512x1xf32> to vector<512x640xf32>
    %ge3A_84 = arith.cmpf oge, %select_n3A_79, %ge3A_83 : vector<512x640xf32>
    %jit3A_85 = arith.constant 640 : i32
    %broadcast_in_dim3A_86 = vector.broadcast %jit3A_85 : i32 to vector<512x640xi32>
    %select_n3A_87 = arith.select %ge3A_84, %iota3A, %broadcast_in_dim3A_86 : vector<512x640xi1>, vector<512x640xi32>
    %reduce_min3A_88 = arith.constant dense<2147483647> : vector<512xi32>
    %reduce_min3A_89 = vector.multi_reduction <minsi>, %select_n3A_87, %reduce_min3A_88 [1] : vector<512x640xi32> to vector<512xi32>
    %broadcast_in_dim3A_90 = vector.shape_cast %reduce_min3A_89 : vector<512xi32> to vector<512x1xi32>
    %jit3A_91 = arith.constant 128 : i32
    %div3A_92 = vector.broadcast %jit3A_91 : i32 to vector<512x1xi32>
    %div3A_93 = arith.divsi %broadcast_in_dim3A_90, %div3A_92 : vector<512x1xi32>
    %sign3A_94 = arith.constant 0 : i32
    %sign3A_95 = vector.broadcast %sign3A_94 : i32 to vector<512x1xi32>
    %sign3A_96 = arith.cmpi sgt, %broadcast_in_dim3A_90, %sign3A_95 : vector<512x1xi32>
    %sign3A_97 = arith.extui %sign3A_96 : vector<512x1xi1> to vector<512x1xi32>
    %sign3A_98 = arith.constant 0 : i32
    %sign3A_99 = vector.broadcast %sign3A_98 : i32 to vector<512x1xi32>
    %sign3A_100 = arith.cmpi slt, %broadcast_in_dim3A_90, %sign3A_99 : vector<512x1xi32>
    %sign3A_101 = arith.extui %sign3A_100 : vector<512x1xi1> to vector<512x1xi32>
    %sign3A_102 = arith.subi %sign3A_97, %sign3A_101 : vector<512x1xi32>
    %sign3A_103 = arith.constant 0 : i32
    %sign3A_104 = arith.cmpi sgt, %jit3A_91, %sign3A_103 : i32
    %sign3A_105 = arith.extui %sign3A_104 : i1 to i32
    %sign3A_106 = arith.constant 0 : i32
    %sign3A_107 = arith.cmpi slt, %jit3A_91, %sign3A_106 : i32
    %sign3A_108 = arith.extui %sign3A_107 : i1 to i32
    %sign3A_109 = arith.subi %sign3A_105, %sign3A_108 : i32
    %ne3A_110 = vector.broadcast %sign3A_109 : i32 to vector<512x1xi32>
    %ne3A_111 = arith.cmpi ne, %sign3A_102, %ne3A_110 : vector<512x1xi32>
    %rem3A_112 = vector.broadcast %jit3A_91 : i32 to vector<512x1xi32>
    %rem3A_113 = arith.remsi %broadcast_in_dim3A_90, %rem3A_112 : vector<512x1xi32>
    %ne3A_114 = arith.constant 0 : i32
    %ne3A_115 = vector.broadcast %ne3A_114 : i32 to vector<512x1xi32>
    %ne3A_116 = arith.cmpi ne, %rem3A_113, %ne3A_115 : vector<512x1xi32>
    %and3A_117 = arith.andi %ne3A_111, %ne3A_116 : vector<512x1xi1>
    %sub3A_118 = arith.constant 1 : i32
    %sub3A_119 = vector.broadcast %sub3A_118 : i32 to vector<512x1xi32>
    %sub3A_120 = arith.subi %div3A_93, %sub3A_119 : vector<512x1xi32>
    %select_n3A_121 = arith.select %and3A_117, %sub3A_120, %div3A_93 : vector<512x1xi1>, vector<512x1xi32>
    %mul3A_122 = arith.constant 128 : i32
    %mul3A_123 = vector.broadcast %mul3A_122 : i32 to vector<512x1xi32>
    %mul3A_124 = arith.muli %select_n3A_121, %mul3A_123 : vector<512x1xi32>
    %sub3A_125 = arith.subi %broadcast_in_dim3A_90, %mul3A_124 : vector<512x1xi32>
    %broadcast_in_dim3A_126 = arith.constant 0 : i32
    %broadcast_in_dim3A_127 = vector.broadcast %broadcast_in_dim3A_126 : i32 to vector<512x1xi32>
    %eq3A_128 = arith.constant 0 : i32
    %eq3A_129 = vector.broadcast %eq3A_128 : i32 to vector<512x1xi32>
    %eq3A_130 = arith.cmpi eq, %select_n3A_121, %eq3A_129 : vector<512x1xi32>
    %slice3A_131 = vector.extract_strided_slice %sub3A {offsets = [0, 0], sizes = [512, 1], strides = [1, 1]} : vector<512x5xi32> to vector<512x1xi32>
    %select_n3A_132 = arith.select %eq3A_130, %slice3A_131, %broadcast_in_dim3A_127 : vector<512x1xi1>, vector<512x1xi32>
    %eq3A_133 = arith.constant 1 : i32
    %eq3A_134 = vector.broadcast %eq3A_133 : i32 to vector<512x1xi32>
    %eq3A_135 = arith.cmpi eq, %select_n3A_121, %eq3A_134 : vector<512x1xi32>
    %slice3A_136 = vector.extract_strided_slice %sub3A {offsets = [0, 1], sizes = [512, 1], strides = [1, 1]} : vector<512x5xi32> to vector<512x1xi32>
    %select_n3A_137 = arith.select %eq3A_135, %slice3A_136, %select_n3A_132 : vector<512x1xi1>, vector<512x1xi32>
    %eq3A_138 = arith.constant 2 : i32
    %eq3A_139 = vector.broadcast %eq3A_138 : i32 to vector<512x1xi32>
    %eq3A_140 = arith.cmpi eq, %select_n3A_121, %eq3A_139 : vector<512x1xi32>
    %slice3A_141 = vector.extract_strided_slice %sub3A {offsets = [0, 2], sizes = [512, 1], strides = [1, 1]} : vector<512x5xi32> to vector<512x1xi32>
    %select_n3A_142 = arith.select %eq3A_140, %slice3A_141, %select_n3A_137 : vector<512x1xi1>, vector<512x1xi32>
    %eq3A_143 = arith.constant 3 : i32
    %eq3A_144 = vector.broadcast %eq3A_143 : i32 to vector<512x1xi32>
    %eq3A_145 = arith.cmpi eq, %select_n3A_121, %eq3A_144 : vector<512x1xi32>
    %slice3A_146 = vector.extract_strided_slice %sub3A {offsets = [0, 3], sizes = [512, 1], strides = [1, 1]} : vector<512x5xi32> to vector<512x1xi32>
    %select_n3A_147 = arith.select %eq3A_145, %slice3A_146, %select_n3A_142 : vector<512x1xi1>, vector<512x1xi32>
    %eq3A_148 = arith.constant 4 : i32
    %eq3A_149 = vector.broadcast %eq3A_148 : i32 to vector<512x1xi32>
    %eq3A_150 = arith.cmpi eq, %select_n3A_121, %eq3A_149 : vector<512x1xi32>
    %slice3A_151 = vector.extract_strided_slice %sub3A {offsets = [0, 4], sizes = [512, 1], strides = [1, 1]} : vector<512x5xi32> to vector<512x1xi32>
    %select_n3A_152 = arith.select %eq3A_150, %slice3A_151, %select_n3A_147 : vector<512x1xi1>, vector<512x1xi32>
    %mul3A_153 = arith.constant 128 : i32
    %mul3A_154 = vector.broadcast %mul3A_153 : i32 to vector<512x1xi32>
    %mul3A_155 = arith.muli %select_n3A_152, %mul3A_154 : vector<512x1xi32>
    %add3A_156 = arith.addi %mul3A_155, %sub3A_125 : vector<512x1xi32>
    %eq3A_157 = vector.broadcast %broadcast_in_dim3A_90 : vector<512x1xi32> to vector<512x640xi32>
    %eq3A_158 = arith.cmpi eq, %iota3A, %eq3A_157 : vector<512x640xi32>
    %jit3A_159 = arith.constant -3.000000e+38 : f32
    %broadcast_in_dim3A_160 = vector.broadcast %jit3A_159 : f32 to vector<512x640xf32>
    %select_n3A_161 = arith.select %eq3A_158, %broadcast_in_dim3A_160, %select_n3A_79 : vector<512x640xi1>, vector<512x640xf32>
    %reduce_max3A_162 = arith.constant dense<0xFF800000> : vector<512xf32>
    %reduce_max3A_163 = vector.multi_reduction <maximumf>, %select_n3A_161, %reduce_max3A_162 [1] : vector<512x640xf32> to vector<512xf32>
    %broadcast_in_dim3A_164 = vector.shape_cast %reduce_max3A_163 : vector<512xf32> to vector<512x1xf32>
    %ge3A_165 = vector.broadcast %broadcast_in_dim3A_164 : vector<512x1xf32> to vector<512x640xf32>
    %ge3A_166 = arith.cmpf oge, %select_n3A_161, %ge3A_165 : vector<512x640xf32>
    %jit3A_167 = arith.constant 640 : i32
    %broadcast_in_dim3A_168 = vector.broadcast %jit3A_167 : i32 to vector<512x640xi32>
    %select_n3A_169 = arith.select %ge3A_166, %iota3A, %broadcast_in_dim3A_168 : vector<512x640xi1>, vector<512x640xi32>
    %reduce_min3A_170 = arith.constant dense<2147483647> : vector<512xi32>
    %reduce_min3A_171 = vector.multi_reduction <minsi>, %select_n3A_169, %reduce_min3A_170 [1] : vector<512x640xi32> to vector<512xi32>
    %broadcast_in_dim3A_172 = vector.shape_cast %reduce_min3A_171 : vector<512xi32> to vector<512x1xi32>
    %jit3A_173 = arith.constant 128 : i32
    %div3A_174 = vector.broadcast %jit3A_173 : i32 to vector<512x1xi32>
    %div3A_175 = arith.divsi %broadcast_in_dim3A_172, %div3A_174 : vector<512x1xi32>
    %sign3A_176 = arith.constant 0 : i32
    %sign3A_177 = vector.broadcast %sign3A_176 : i32 to vector<512x1xi32>
    %sign3A_178 = arith.cmpi sgt, %broadcast_in_dim3A_172, %sign3A_177 : vector<512x1xi32>
    %sign3A_179 = arith.extui %sign3A_178 : vector<512x1xi1> to vector<512x1xi32>
    %sign3A_180 = arith.constant 0 : i32
    %sign3A_181 = vector.broadcast %sign3A_180 : i32 to vector<512x1xi32>
    %sign3A_182 = arith.cmpi slt, %broadcast_in_dim3A_172, %sign3A_181 : vector<512x1xi32>
    %sign3A_183 = arith.extui %sign3A_182 : vector<512x1xi1> to vector<512x1xi32>
    %sign3A_184 = arith.subi %sign3A_179, %sign3A_183 : vector<512x1xi32>
    %sign3A_185 = arith.constant 0 : i32
    %sign3A_186 = arith.cmpi sgt, %jit3A_173, %sign3A_185 : i32
    %sign3A_187 = arith.extui %sign3A_186 : i1 to i32
    %sign3A_188 = arith.constant 0 : i32
    %sign3A_189 = arith.cmpi slt, %jit3A_173, %sign3A_188 : i32
    %sign3A_190 = arith.extui %sign3A_189 : i1 to i32
    %sign3A_191 = arith.subi %sign3A_187, %sign3A_190 : i32
    %ne3A_192 = vector.broadcast %sign3A_191 : i32 to vector<512x1xi32>
    %ne3A_193 = arith.cmpi ne, %sign3A_184, %ne3A_192 : vector<512x1xi32>
    %rem3A_194 = vector.broadcast %jit3A_173 : i32 to vector<512x1xi32>
    %rem3A_195 = arith.remsi %broadcast_in_dim3A_172, %rem3A_194 : vector<512x1xi32>
    %ne3A_196 = arith.constant 0 : i32
    %ne3A_197 = vector.broadcast %ne3A_196 : i32 to vector<512x1xi32>
    %ne3A_198 = arith.cmpi ne, %rem3A_195, %ne3A_197 : vector<512x1xi32>
    %and3A_199 = arith.andi %ne3A_193, %ne3A_198 : vector<512x1xi1>
    %sub3A_200 = arith.constant 1 : i32
    %sub3A_201 = vector.broadcast %sub3A_200 : i32 to vector<512x1xi32>
    %sub3A_202 = arith.subi %div3A_175, %sub3A_201 : vector<512x1xi32>
    %select_n3A_203 = arith.select %and3A_199, %sub3A_202, %div3A_175 : vector<512x1xi1>, vector<512x1xi32>
    %mul3A_204 = arith.constant 128 : i32
    %mul3A_205 = vector.broadcast %mul3A_204 : i32 to vector<512x1xi32>
    %mul3A_206 = arith.muli %select_n3A_203, %mul3A_205 : vector<512x1xi32>
    %sub3A_207 = arith.subi %broadcast_in_dim3A_172, %mul3A_206 : vector<512x1xi32>
    %broadcast_in_dim3A_208 = arith.constant 0 : i32
    %broadcast_in_dim3A_209 = vector.broadcast %broadcast_in_dim3A_208 : i32 to vector<512x1xi32>
    %eq3A_210 = arith.constant 0 : i32
    %eq3A_211 = vector.broadcast %eq3A_210 : i32 to vector<512x1xi32>
    %eq3A_212 = arith.cmpi eq, %select_n3A_203, %eq3A_211 : vector<512x1xi32>
    %slice3A_213 = vector.extract_strided_slice %sub3A {offsets = [0, 0], sizes = [512, 1], strides = [1, 1]} : vector<512x5xi32> to vector<512x1xi32>
    %select_n3A_214 = arith.select %eq3A_212, %slice3A_213, %broadcast_in_dim3A_209 : vector<512x1xi1>, vector<512x1xi32>
    %eq3A_215 = arith.constant 1 : i32
    %eq3A_216 = vector.broadcast %eq3A_215 : i32 to vector<512x1xi32>
    %eq3A_217 = arith.cmpi eq, %select_n3A_203, %eq3A_216 : vector<512x1xi32>
    %slice3A_218 = vector.extract_strided_slice %sub3A {offsets = [0, 1], sizes = [512, 1], strides = [1, 1]} : vector<512x5xi32> to vector<512x1xi32>
    %select_n3A_219 = arith.select %eq3A_217, %slice3A_218, %select_n3A_214 : vector<512x1xi1>, vector<512x1xi32>
    %eq3A_220 = arith.constant 2 : i32
    %eq3A_221 = vector.broadcast %eq3A_220 : i32 to vector<512x1xi32>
    %eq3A_222 = arith.cmpi eq, %select_n3A_203, %eq3A_221 : vector<512x1xi32>
    %slice3A_223 = vector.extract_strided_slice %sub3A {offsets = [0, 2], sizes = [512, 1], strides = [1, 1]} : vector<512x5xi32> to vector<512x1xi32>
    %select_n3A_224 = arith.select %eq3A_222, %slice3A_223, %select_n3A_219 : vector<512x1xi1>, vector<512x1xi32>
    %eq3A_225 = arith.constant 3 : i32
    %eq3A_226 = vector.broadcast %eq3A_225 : i32 to vector<512x1xi32>
    %eq3A_227 = arith.cmpi eq, %select_n3A_203, %eq3A_226 : vector<512x1xi32>
    %slice3A_228 = vector.extract_strided_slice %sub3A {offsets = [0, 3], sizes = [512, 1], strides = [1, 1]} : vector<512x5xi32> to vector<512x1xi32>
    %select_n3A_229 = arith.select %eq3A_227, %slice3A_228, %select_n3A_224 : vector<512x1xi1>, vector<512x1xi32>
    %eq3A_230 = arith.constant 4 : i32
    %eq3A_231 = vector.broadcast %eq3A_230 : i32 to vector<512x1xi32>
    %eq3A_232 = arith.cmpi eq, %select_n3A_203, %eq3A_231 : vector<512x1xi32>
    %slice3A_233 = vector.extract_strided_slice %sub3A {offsets = [0, 4], sizes = [512, 1], strides = [1, 1]} : vector<512x5xi32> to vector<512x1xi32>
    %select_n3A_234 = arith.select %eq3A_232, %slice3A_233, %select_n3A_229 : vector<512x1xi1>, vector<512x1xi32>
    %mul3A_235 = arith.constant 128 : i32
    %mul3A_236 = vector.broadcast %mul3A_235 : i32 to vector<512x1xi32>
    %mul3A_237 = arith.muli %select_n3A_234, %mul3A_236 : vector<512x1xi32>
    %add3A_238 = arith.addi %mul3A_237, %sub3A_207 : vector<512x1xi32>
    %eq3A_239 = vector.broadcast %broadcast_in_dim3A_172 : vector<512x1xi32> to vector<512x640xi32>
    %eq3A_240 = arith.cmpi eq, %iota3A, %eq3A_239 : vector<512x640xi32>
    %jit3A_241 = arith.constant -3.000000e+38 : f32
    %broadcast_in_dim3A_242 = vector.broadcast %jit3A_241 : f32 to vector<512x640xf32>
    %select_n3A_243 = arith.select %eq3A_240, %broadcast_in_dim3A_242, %select_n3A_161 : vector<512x640xi1>, vector<512x640xf32>
    %reduce_max3A_244 = arith.constant dense<0xFF800000> : vector<512xf32>
    %reduce_max3A_245 = vector.multi_reduction <maximumf>, %select_n3A_243, %reduce_max3A_244 [1] : vector<512x640xf32> to vector<512xf32>
    %broadcast_in_dim3A_246 = vector.shape_cast %reduce_max3A_245 : vector<512xf32> to vector<512x1xf32>
    %ge3A_247 = vector.broadcast %broadcast_in_dim3A_246 : vector<512x1xf32> to vector<512x640xf32>
    %ge3A_248 = arith.cmpf oge, %select_n3A_243, %ge3A_247 : vector<512x640xf32>
    %jit3A_249 = arith.constant 640 : i32
    %broadcast_in_dim3A_250 = vector.broadcast %jit3A_249 : i32 to vector<512x640xi32>
    %select_n3A_251 = arith.select %ge3A_248, %iota3A, %broadcast_in_dim3A_250 : vector<512x640xi1>, vector<512x640xi32>
    %reduce_min3A_252 = arith.constant dense<2147483647> : vector<512xi32>
    %reduce_min3A_253 = vector.multi_reduction <minsi>, %select_n3A_251, %reduce_min3A_252 [1] : vector<512x640xi32> to vector<512xi32>
    %broadcast_in_dim3A_254 = vector.shape_cast %reduce_min3A_253 : vector<512xi32> to vector<512x1xi32>
    %jit3A_255 = arith.constant 128 : i32
    %div3A_256 = vector.broadcast %jit3A_255 : i32 to vector<512x1xi32>
    %div3A_257 = arith.divsi %broadcast_in_dim3A_254, %div3A_256 : vector<512x1xi32>
    %sign3A_258 = arith.constant 0 : i32
    %sign3A_259 = vector.broadcast %sign3A_258 : i32 to vector<512x1xi32>
    %sign3A_260 = arith.cmpi sgt, %broadcast_in_dim3A_254, %sign3A_259 : vector<512x1xi32>
    %sign3A_261 = arith.extui %sign3A_260 : vector<512x1xi1> to vector<512x1xi32>
    %sign3A_262 = arith.constant 0 : i32
    %sign3A_263 = vector.broadcast %sign3A_262 : i32 to vector<512x1xi32>
    %sign3A_264 = arith.cmpi slt, %broadcast_in_dim3A_254, %sign3A_263 : vector<512x1xi32>
    %sign3A_265 = arith.extui %sign3A_264 : vector<512x1xi1> to vector<512x1xi32>
    %sign3A_266 = arith.subi %sign3A_261, %sign3A_265 : vector<512x1xi32>
    %sign3A_267 = arith.constant 0 : i32
    %sign3A_268 = arith.cmpi sgt, %jit3A_255, %sign3A_267 : i32
    %sign3A_269 = arith.extui %sign3A_268 : i1 to i32
    %sign3A_270 = arith.constant 0 : i32
    %sign3A_271 = arith.cmpi slt, %jit3A_255, %sign3A_270 : i32
    %sign3A_272 = arith.extui %sign3A_271 : i1 to i32
    %sign3A_273 = arith.subi %sign3A_269, %sign3A_272 : i32
    %ne3A_274 = vector.broadcast %sign3A_273 : i32 to vector<512x1xi32>
    %ne3A_275 = arith.cmpi ne, %sign3A_266, %ne3A_274 : vector<512x1xi32>
    %rem3A_276 = vector.broadcast %jit3A_255 : i32 to vector<512x1xi32>
    %rem3A_277 = arith.remsi %broadcast_in_dim3A_254, %rem3A_276 : vector<512x1xi32>
    %ne3A_278 = arith.constant 0 : i32
    %ne3A_279 = vector.broadcast %ne3A_278 : i32 to vector<512x1xi32>
    %ne3A_280 = arith.cmpi ne, %rem3A_277, %ne3A_279 : vector<512x1xi32>
    %and3A_281 = arith.andi %ne3A_275, %ne3A_280 : vector<512x1xi1>
    %sub3A_282 = arith.constant 1 : i32
    %sub3A_283 = vector.broadcast %sub3A_282 : i32 to vector<512x1xi32>
    %sub3A_284 = arith.subi %div3A_257, %sub3A_283 : vector<512x1xi32>
    %select_n3A_285 = arith.select %and3A_281, %sub3A_284, %div3A_257 : vector<512x1xi1>, vector<512x1xi32>
    %mul3A_286 = arith.constant 128 : i32
    %mul3A_287 = vector.broadcast %mul3A_286 : i32 to vector<512x1xi32>
    %mul3A_288 = arith.muli %select_n3A_285, %mul3A_287 : vector<512x1xi32>
    %sub3A_289 = arith.subi %broadcast_in_dim3A_254, %mul3A_288 : vector<512x1xi32>
    %broadcast_in_dim3A_290 = arith.constant 0 : i32
    %broadcast_in_dim3A_291 = vector.broadcast %broadcast_in_dim3A_290 : i32 to vector<512x1xi32>
    %eq3A_292 = arith.constant 0 : i32
    %eq3A_293 = vector.broadcast %eq3A_292 : i32 to vector<512x1xi32>
    %eq3A_294 = arith.cmpi eq, %select_n3A_285, %eq3A_293 : vector<512x1xi32>
    %slice3A_295 = vector.extract_strided_slice %sub3A {offsets = [0, 0], sizes = [512, 1], strides = [1, 1]} : vector<512x5xi32> to vector<512x1xi32>
    %select_n3A_296 = arith.select %eq3A_294, %slice3A_295, %broadcast_in_dim3A_291 : vector<512x1xi1>, vector<512x1xi32>
    %eq3A_297 = arith.constant 1 : i32
    %eq3A_298 = vector.broadcast %eq3A_297 : i32 to vector<512x1xi32>
    %eq3A_299 = arith.cmpi eq, %select_n3A_285, %eq3A_298 : vector<512x1xi32>
    %slice3A_300 = vector.extract_strided_slice %sub3A {offsets = [0, 1], sizes = [512, 1], strides = [1, 1]} : vector<512x5xi32> to vector<512x1xi32>
    %select_n3A_301 = arith.select %eq3A_299, %slice3A_300, %select_n3A_296 : vector<512x1xi1>, vector<512x1xi32>
    %eq3A_302 = arith.constant 2 : i32
    %eq3A_303 = vector.broadcast %eq3A_302 : i32 to vector<512x1xi32>
    %eq3A_304 = arith.cmpi eq, %select_n3A_285, %eq3A_303 : vector<512x1xi32>
    %slice3A_305 = vector.extract_strided_slice %sub3A {offsets = [0, 2], sizes = [512, 1], strides = [1, 1]} : vector<512x5xi32> to vector<512x1xi32>
    %select_n3A_306 = arith.select %eq3A_304, %slice3A_305, %select_n3A_301 : vector<512x1xi1>, vector<512x1xi32>
    %eq3A_307 = arith.constant 3 : i32
    %eq3A_308 = vector.broadcast %eq3A_307 : i32 to vector<512x1xi32>
    %eq3A_309 = arith.cmpi eq, %select_n3A_285, %eq3A_308 : vector<512x1xi32>
    %slice3A_310 = vector.extract_strided_slice %sub3A {offsets = [0, 3], sizes = [512, 1], strides = [1, 1]} : vector<512x5xi32> to vector<512x1xi32>
    %select_n3A_311 = arith.select %eq3A_309, %slice3A_310, %select_n3A_306 : vector<512x1xi1>, vector<512x1xi32>
    %eq3A_312 = arith.constant 4 : i32
    %eq3A_313 = vector.broadcast %eq3A_312 : i32 to vector<512x1xi32>
    %eq3A_314 = arith.cmpi eq, %select_n3A_285, %eq3A_313 : vector<512x1xi32>
    %slice3A_315 = vector.extract_strided_slice %sub3A {offsets = [0, 4], sizes = [512, 1], strides = [1, 1]} : vector<512x5xi32> to vector<512x1xi32>
    %select_n3A_316 = arith.select %eq3A_314, %slice3A_315, %select_n3A_311 : vector<512x1xi1>, vector<512x1xi32>
    %mul3A_317 = arith.constant 128 : i32
    %mul3A_318 = vector.broadcast %mul3A_317 : i32 to vector<512x1xi32>
    %mul3A_319 = arith.muli %select_n3A_316, %mul3A_318 : vector<512x1xi32>
    %add3A_320 = arith.addi %mul3A_319, %sub3A_289 : vector<512x1xi32>
    %eq3A_321 = vector.broadcast %broadcast_in_dim3A_254 : vector<512x1xi32> to vector<512x640xi32>
    %eq3A_322 = arith.cmpi eq, %iota3A, %eq3A_321 : vector<512x640xi32>
    %jit3A_323 = arith.constant -3.000000e+38 : f32
    %broadcast_in_dim3A_324 = vector.broadcast %jit3A_323 : f32 to vector<512x640xf32>
    %select_n3A_325 = arith.select %eq3A_322, %broadcast_in_dim3A_324, %select_n3A_243 : vector<512x640xi1>, vector<512x640xf32>
    %reduce_max3A_326 = arith.constant dense<0xFF800000> : vector<512xf32>
    %reduce_max3A_327 = vector.multi_reduction <maximumf>, %select_n3A_325, %reduce_max3A_326 [1] : vector<512x640xf32> to vector<512xf32>
    %broadcast_in_dim3A_328 = vector.shape_cast %reduce_max3A_327 : vector<512xf32> to vector<512x1xf32>
    %ge3A_329 = vector.broadcast %broadcast_in_dim3A_328 : vector<512x1xf32> to vector<512x640xf32>
    %ge3A_330 = arith.cmpf oge, %select_n3A_325, %ge3A_329 : vector<512x640xf32>
    %jit3A_331 = arith.constant 640 : i32
    %broadcast_in_dim3A_332 = vector.broadcast %jit3A_331 : i32 to vector<512x640xi32>
    %select_n3A_333 = arith.select %ge3A_330, %iota3A, %broadcast_in_dim3A_332 : vector<512x640xi1>, vector<512x640xi32>
    %reduce_min3A_334 = arith.constant dense<2147483647> : vector<512xi32>
    %reduce_min3A_335 = vector.multi_reduction <minsi>, %select_n3A_333, %reduce_min3A_334 [1] : vector<512x640xi32> to vector<512xi32>
    %broadcast_in_dim3A_336 = vector.shape_cast %reduce_min3A_335 : vector<512xi32> to vector<512x1xi32>
    %jit3A_337 = arith.constant 128 : i32
    %div3A_338 = vector.broadcast %jit3A_337 : i32 to vector<512x1xi32>
    %div3A_339 = arith.divsi %broadcast_in_dim3A_336, %div3A_338 : vector<512x1xi32>
    %sign3A_340 = arith.constant 0 : i32
    %sign3A_341 = vector.broadcast %sign3A_340 : i32 to vector<512x1xi32>
    %sign3A_342 = arith.cmpi sgt, %broadcast_in_dim3A_336, %sign3A_341 : vector<512x1xi32>
    %sign3A_343 = arith.extui %sign3A_342 : vector<512x1xi1> to vector<512x1xi32>
    %sign3A_344 = arith.constant 0 : i32
    %sign3A_345 = vector.broadcast %sign3A_344 : i32 to vector<512x1xi32>
    %sign3A_346 = arith.cmpi slt, %broadcast_in_dim3A_336, %sign3A_345 : vector<512x1xi32>
    %sign3A_347 = arith.extui %sign3A_346 : vector<512x1xi1> to vector<512x1xi32>
    %sign3A_348 = arith.subi %sign3A_343, %sign3A_347 : vector<512x1xi32>
    %sign3A_349 = arith.constant 0 : i32
    %sign3A_350 = arith.cmpi sgt, %jit3A_337, %sign3A_349 : i32
    %sign3A_351 = arith.extui %sign3A_350 : i1 to i32
    %sign3A_352 = arith.constant 0 : i32
    %sign3A_353 = arith.cmpi slt, %jit3A_337, %sign3A_352 : i32
    %sign3A_354 = arith.extui %sign3A_353 : i1 to i32
    %sign3A_355 = arith.subi %sign3A_351, %sign3A_354 : i32
    %ne3A_356 = vector.broadcast %sign3A_355 : i32 to vector<512x1xi32>
    %ne3A_357 = arith.cmpi ne, %sign3A_348, %ne3A_356 : vector<512x1xi32>
    %rem3A_358 = vector.broadcast %jit3A_337 : i32 to vector<512x1xi32>
    %rem3A_359 = arith.remsi %broadcast_in_dim3A_336, %rem3A_358 : vector<512x1xi32>
    %ne3A_360 = arith.constant 0 : i32
    %ne3A_361 = vector.broadcast %ne3A_360 : i32 to vector<512x1xi32>
    %ne3A_362 = arith.cmpi ne, %rem3A_359, %ne3A_361 : vector<512x1xi32>
    %and3A_363 = arith.andi %ne3A_357, %ne3A_362 : vector<512x1xi1>
    %sub3A_364 = arith.constant 1 : i32
    %sub3A_365 = vector.broadcast %sub3A_364 : i32 to vector<512x1xi32>
    %sub3A_366 = arith.subi %div3A_339, %sub3A_365 : vector<512x1xi32>
    %select_n3A_367 = arith.select %and3A_363, %sub3A_366, %div3A_339 : vector<512x1xi1>, vector<512x1xi32>
    %mul3A_368 = arith.constant 128 : i32
    %mul3A_369 = vector.broadcast %mul3A_368 : i32 to vector<512x1xi32>
    %mul3A_370 = arith.muli %select_n3A_367, %mul3A_369 : vector<512x1xi32>
    %sub3A_371 = arith.subi %broadcast_in_dim3A_336, %mul3A_370 : vector<512x1xi32>
    %broadcast_in_dim3A_372 = arith.constant 0 : i32
    %broadcast_in_dim3A_373 = vector.broadcast %broadcast_in_dim3A_372 : i32 to vector<512x1xi32>
    %eq3A_374 = arith.constant 0 : i32
    %eq3A_375 = vector.broadcast %eq3A_374 : i32 to vector<512x1xi32>
    %eq3A_376 = arith.cmpi eq, %select_n3A_367, %eq3A_375 : vector<512x1xi32>
    %slice3A_377 = vector.extract_strided_slice %sub3A {offsets = [0, 0], sizes = [512, 1], strides = [1, 1]} : vector<512x5xi32> to vector<512x1xi32>
    %select_n3A_378 = arith.select %eq3A_376, %slice3A_377, %broadcast_in_dim3A_373 : vector<512x1xi1>, vector<512x1xi32>
    %eq3A_379 = arith.constant 1 : i32
    %eq3A_380 = vector.broadcast %eq3A_379 : i32 to vector<512x1xi32>
    %eq3A_381 = arith.cmpi eq, %select_n3A_367, %eq3A_380 : vector<512x1xi32>
    %slice3A_382 = vector.extract_strided_slice %sub3A {offsets = [0, 1], sizes = [512, 1], strides = [1, 1]} : vector<512x5xi32> to vector<512x1xi32>
    %select_n3A_383 = arith.select %eq3A_381, %slice3A_382, %select_n3A_378 : vector<512x1xi1>, vector<512x1xi32>
    %eq3A_384 = arith.constant 2 : i32
    %eq3A_385 = vector.broadcast %eq3A_384 : i32 to vector<512x1xi32>
    %eq3A_386 = arith.cmpi eq, %select_n3A_367, %eq3A_385 : vector<512x1xi32>
    %slice3A_387 = vector.extract_strided_slice %sub3A {offsets = [0, 2], sizes = [512, 1], strides = [1, 1]} : vector<512x5xi32> to vector<512x1xi32>
    %select_n3A_388 = arith.select %eq3A_386, %slice3A_387, %select_n3A_383 : vector<512x1xi1>, vector<512x1xi32>
    %eq3A_389 = arith.constant 3 : i32
    %eq3A_390 = vector.broadcast %eq3A_389 : i32 to vector<512x1xi32>
    %eq3A_391 = arith.cmpi eq, %select_n3A_367, %eq3A_390 : vector<512x1xi32>
    %slice3A_392 = vector.extract_strided_slice %sub3A {offsets = [0, 3], sizes = [512, 1], strides = [1, 1]} : vector<512x5xi32> to vector<512x1xi32>
    %select_n3A_393 = arith.select %eq3A_391, %slice3A_392, %select_n3A_388 : vector<512x1xi1>, vector<512x1xi32>
    %eq3A_394 = arith.constant 4 : i32
    %eq3A_395 = vector.broadcast %eq3A_394 : i32 to vector<512x1xi32>
    %eq3A_396 = arith.cmpi eq, %select_n3A_367, %eq3A_395 : vector<512x1xi32>
    %slice3A_397 = vector.extract_strided_slice %sub3A {offsets = [0, 4], sizes = [512, 1], strides = [1, 1]} : vector<512x5xi32> to vector<512x1xi32>
    %select_n3A_398 = arith.select %eq3A_396, %slice3A_397, %select_n3A_393 : vector<512x1xi1>, vector<512x1xi32>
    %mul3A_399 = arith.constant 128 : i32
    %mul3A_400 = vector.broadcast %mul3A_399 : i32 to vector<512x1xi32>
    %mul3A_401 = arith.muli %select_n3A_398, %mul3A_400 : vector<512x1xi32>
    %add3A_402 = arith.addi %mul3A_401, %sub3A_371 : vector<512x1xi32>
    %concatenate3A = tpu.concatenate %broadcast_in_dim3A, %broadcast_in_dim3A_82, %broadcast_in_dim3A_164, %broadcast_in_dim3A_246, %broadcast_in_dim3A_328 in 1 : vector<512x1xf32>, vector<512x1xf32>, vector<512x1xf32>, vector<512x1xf32>, vector<512x1xf32> -> vector<512x5xf32>
    %get3A_403 = arith.constant 0 : index
    %get3A_404 = arith.constant 0 : index
    %get3A_405 = vector.load %arg3[%get3A_403, %get3A_404] : memref<1x512xf32, #tpu.memory_space<vmem>>, vector<1x512xf32>
    %transpose3A = tpu.transpose %get3A_405, [1, 0] : vector<1x512xf32> -> vector<512x1xf32>
    %exp3A = math.exp %concatenate3A : vector<512x5xf32>
    %div3A_406 = vector.broadcast %transpose3A : vector<512x1xf32> to vector<512x5xf32>
    %div3A_407 = arith.divf %exp3A, %div3A_406 : vector<512x5xf32>
    %reduce_max3A_408 = arith.constant dense<0xFF800000> : vector<512xf32>
    %reduce_max3A_409 = vector.multi_reduction <maximumf>, %div3A_407, %reduce_max3A_408 [1] : vector<512x5xf32> to vector<512xf32>
    %broadcast_in_dim3A_410 = vector.shape_cast %reduce_max3A_409 : vector<512xf32> to vector<512x1xf32>
    %sub3A_411 = vector.broadcast %broadcast_in_dim3A_410 : vector<512x1xf32> to vector<512x5xf32>
    %sub3A_412 = arith.subf %div3A_407, %sub3A_411 : vector<512x5xf32>
    %exp3A_413 = math.exp %sub3A_412 : vector<512x5xf32>
    %reduce_sum3A = arith.constant dense<0.000000e+00> : vector<512xf32>
    %reduce_sum3A_414 = vector.multi_reduction <add>, %exp3A_413, %reduce_sum3A [1] : vector<512x5xf32> to vector<512xf32>
    %broadcast_in_dim3A_415 = vector.shape_cast %reduce_sum3A_414 : vector<512xf32> to vector<512x1xf32>
    %div3A_416 = vector.broadcast %broadcast_in_dim3A_415 : vector<512x1xf32> to vector<512x5xf32>
    %div3A_417 = arith.divf %exp3A_413, %div3A_416 : vector<512x5xf32>
    %swap3A = arith.constant 0 : index
    %swap3A_418 = arith.constant 0 : index
    %swap3A_419 = vector.load %arg4[%swap3A, %swap3A_418] : memref<512x5xf32, #tpu.memory_space<vmem>>, vector<512x5xf32>
    tpu.vector_store %arg4[%swap3A, %swap3A_418], %div3A_417 {strides = array<i32>} : memref<512x5xf32, #tpu.memory_space<vmem>>, vector<512x5xf32>,
    %concatenate3A_420 = tpu.concatenate %add3A_74, %add3A_156, %add3A_238, %add3A_320, %add3A_402 in 1 : vector<512x1xi32>, vector<512x1xi32>, vector<512x1xi32>, vector<512x1xi32>, vector<512x1xi32> -> vector<512x5xi32>
    %swap3A_421 = arith.constant 0 : index
    %swap3A_422 = arith.constant 0 : index
    %swap3A_423 = vector.load %arg5[%swap3A_421, %swap3A_422] : memref<512x5xi32, #tpu.memory_space<vmem>>, vector<512x5xi32>
    tpu.vector_store %arg5[%swap3A_421, %swap3A_422], %concatenate3A_420 {strides = array<i32>} : memref<512x5xi32, #tpu.memory_space<vmem>>, vector<512x5xi32>,
    return
  }
  func.func @transform_0(%arg0: i32) -> (i32, i32) {
    %c0_i32 = arith.constant 0 : i32
    %c0_i32_0 = arith.constant 0 : i32
    return %arg0, %c0_i32 : i32, i32
  }
  func.func @transform_1(%arg0: i32) -> (i32, i32) {
    %c0_i32 = arith.constant 0 : i32
    %c0_i32_0 = arith.constant 0 : i32
    return %arg0, %c0_i32 : i32, i32
  }
  func.func @transform_2(%arg0: i32) -> (i32, i32) {
    %c0_i32 = arith.constant 0 : i32
    %c0_i32_0 = arith.constant 0 : i32
    return %c0_i32, %arg0 : i32, i32
  }
  func.func @transform_3(%arg0: i32) -> (i32, i32) {
    %c0_i32 = arith.constant 0 : i32
    %c0_i32_0 = arith.constant 0 : i32
    return %arg0, %c0_i32 : i32, i32
  }
  func.func @transform_4(%arg0: i32) -> (i32, i32) {
    %c0_i32 = arith.constant 0 : i32
    %c0_i32_0 = arith.constant 0 : i32
    return %arg0, %c0_i32 : i32, i32
  }
}

module attributes {stable_mosaic.version = 14 : i64} {
  func.func @_combine_body(%arg0: i32, %arg1: memref<512x640xf32, #tpu.memory_space<vmem>>, %arg2: memref<512x5xf32, #tpu.memory_space<vmem>>, %arg3: memref<512x32xf32, #tpu.memory_space<vmem>>) attributes {dimension_semantics = [#tpu.dimension_semantics<parallel>], iteration_bounds = array<i64: 32>, scalar_prefetch = 0 : i64, scratch_operands = 0 : i64, tpu.core_type = #tpu.core_type<tc>, window_params = [{transform_indices = @transform_0, window_bounds = array<i64: 512, 640>}, {transform_indices = @transform_1, window_bounds = array<i64: 512, 5>}, {transform_indices = @transform_2, window_bounds = array<i64: 512, 32>}]} {
    %get3A = arith.constant 0 : index
    %get3A_0 = arith.constant 0 : index
    %get3A_1 = vector.load %arg1[%get3A, %get3A_0] : memref<512x640xf32, #tpu.memory_space<vmem>>, vector<512x640xf32>
    %get3A_2 = arith.constant 0 : index
    %get3A_3 = arith.constant 0 : index
    %get3A_4 = vector.load %arg2[%get3A_2, %get3A_3] : memref<512x5xf32, #tpu.memory_space<vmem>>, vector<512x5xf32>
    %slice3A = vector.extract_strided_slice %get3A_4 {offsets = [0, 0], sizes = [512, 1], strides = [1, 1]} : vector<512x5xf32> to vector<512x1xf32>
    %slice3A_5 = vector.extract_strided_slice %get3A_1 {offsets = [0, 0], sizes = [512, 32], strides = [1, 1]} : vector<512x640xf32> to vector<512x32xf32>
    %mul3A = vector.broadcast %slice3A : vector<512x1xf32> to vector<512x32xf32>
    %mul3A_6 = arith.mulf %mul3A, %slice3A_5 : vector<512x32xf32>
    %slice3A_7 = vector.extract_strided_slice %get3A_4 {offsets = [0, 1], sizes = [512, 1], strides = [1, 1]} : vector<512x5xf32> to vector<512x1xf32>
    %slice3A_8 = vector.extract_strided_slice %get3A_1 {offsets = [0, 128], sizes = [512, 32], strides = [1, 1]} : vector<512x640xf32> to vector<512x32xf32>
    %mul3A_9 = vector.broadcast %slice3A_7 : vector<512x1xf32> to vector<512x32xf32>
    %mul3A_10 = arith.mulf %mul3A_9, %slice3A_8 : vector<512x32xf32>
    %add3A = arith.addf %mul3A_6, %mul3A_10 : vector<512x32xf32>
    %slice3A_11 = vector.extract_strided_slice %get3A_4 {offsets = [0, 2], sizes = [512, 1], strides = [1, 1]} : vector<512x5xf32> to vector<512x1xf32>
    %slice3A_12 = vector.extract_strided_slice %get3A_1 {offsets = [0, 256], sizes = [512, 32], strides = [1, 1]} : vector<512x640xf32> to vector<512x32xf32>
    %mul3A_13 = vector.broadcast %slice3A_11 : vector<512x1xf32> to vector<512x32xf32>
    %mul3A_14 = arith.mulf %mul3A_13, %slice3A_12 : vector<512x32xf32>
    %add3A_15 = arith.addf %add3A, %mul3A_14 : vector<512x32xf32>
    %slice3A_16 = vector.extract_strided_slice %get3A_4 {offsets = [0, 3], sizes = [512, 1], strides = [1, 1]} : vector<512x5xf32> to vector<512x1xf32>
    %slice3A_17 = vector.extract_strided_slice %get3A_1 {offsets = [0, 384], sizes = [512, 32], strides = [1, 1]} : vector<512x640xf32> to vector<512x32xf32>
    %mul3A_18 = vector.broadcast %slice3A_16 : vector<512x1xf32> to vector<512x32xf32>
    %mul3A_19 = arith.mulf %mul3A_18, %slice3A_17 : vector<512x32xf32>
    %add3A_20 = arith.addf %add3A_15, %mul3A_19 : vector<512x32xf32>
    %slice3A_21 = vector.extract_strided_slice %get3A_4 {offsets = [0, 4], sizes = [512, 1], strides = [1, 1]} : vector<512x5xf32> to vector<512x1xf32>
    %slice3A_22 = vector.extract_strided_slice %get3A_1 {offsets = [0, 512], sizes = [512, 32], strides = [1, 1]} : vector<512x640xf32> to vector<512x32xf32>
    %mul3A_23 = vector.broadcast %slice3A_21 : vector<512x1xf32> to vector<512x32xf32>
    %mul3A_24 = arith.mulf %mul3A_23, %slice3A_22 : vector<512x32xf32>
    %add3A_25 = arith.addf %add3A_20, %mul3A_24 : vector<512x32xf32>
    %swap3A = arith.constant 0 : index
    %swap3A_26 = arith.constant 0 : index
    %swap3A_27 = vector.load %arg3[%swap3A, %swap3A_26] : memref<512x32xf32, #tpu.memory_space<vmem>>, vector<512x32xf32>
    tpu.vector_store %arg3[%swap3A, %swap3A_26], %add3A_25 {strides = array<i32>} : memref<512x32xf32, #tpu.memory_space<vmem>>, vector<512x32xf32>,
    return
  }
  func.func @transform_0(%arg0: i32) -> (i32, i32) {
    %c0_i32 = arith.constant 0 : i32
    %c0_i32_0 = arith.constant 0 : i32
    return %arg0, %c0_i32 : i32, i32
  }
  func.func @transform_1(%arg0: i32) -> (i32, i32) {
    %c0_i32 = arith.constant 0 : i32
    %c0_i32_0 = arith.constant 0 : i32
    return %arg0, %c0_i32 : i32, i32
  }
  func.func @transform_2(%arg0: i32) -> (i32, i32) {
    %c0_i32 = arith.constant 0 : i32
    %c0_i32_0 = arith.constant 0 : i32
    return %arg0, %c0_i32 : i32, i32
  }
}

</mosaic_0001>

<sc_bundles>
// kernel: kernel.11.cloned.1.call-start
scs
__scs_entry_jumppad:
0x0: {  	(pc) =	sbr.rel $0x88, $3  }
0x1: {  	(tag) =	ssettag $0x0;
	lr =	simm.s32 $0x1  }
0x2: {  	[smem:$0x3FA0] =	sst lr;
	_ =	strace $0xD0000000  }
0x3: {  	_ = 	snop  }
0x4: {  	_ = 	snop  }
0x5: {  	_ = 	snop  }
0x6: {  	_ = 	snop  }
0x7: {  	_ = 	snop  }
__scs_overlays_trampoline_lowered:
0x8: {  	[smem:$0x3FAF] =	sst s0  }
0x9: {  	[smem:$0x3FB0] =	sst s1  }
0xa: {  	[smem:$0x3FB1] =	sst s2  }
0xb: {  	[smem:$0x3FB2] =	sst s3  }
0xc: {  	[smem:$0x3FB3] =	sst s4  }
0xd: {  	[smem:$0x3FB4] =	sst s5  }
0xe: {  	[smem:$0x3FB5] =	sst s6  }
0xf: {  	[smem:$0x3FB6] =	sst s7  }
0x10: {  	[smem:$0x3FB7] =	sst s8  }
0x11: {  	[smem:$0x3FB8] =	sst s9;
	s0 =	simm.s32 @!p0 $0x0  }
0x12: {  	s1 =	sld [smem:$0x3F9E];
	s0 =	simm.s32 @p0 $0x1  }
0x13: {  	[smem:$0x3FB9] =	sst s0;
	s0 =	simm.s32 @!p1 $0x0  }
0x14: {  	s2 =	sld [smem:$0x3F9D];
	s0 =	simm.s32 @p1 $0x1  }
0x15: {  	[smem:$0x3FBA] =	sst s0;
	s0 =	simm.s32 @!p2 $0x0  }
0x16: {  	s3 =	sld [smem:$0x3FDB];
	s0 =	simm.s32 @p2 $0x1  }
0x17: {  	s4 =	simm.s32 $0x1BF5;
	[smem:$0x3FBC] =	sst s0  }
0x18: {  	s0 =	sld [smem:$0x3F9F];
	_ =	swait.ge [sflag:s4], $0x0  }
0x19: {  	s7 =	sld [smem:$0x3FA0]  }
0x1a: {  	s8 =	sadd.s32 $0xFFFFE003, lr  }
0x1b: {  	s9 =	sadd.s32 $0xFFFFFEF7, lr;
	s5 =	simm.s32 $0xFFFFFFFF;
	p2 =	slt.u32 s8, $0xFFFFF086  }
0x1c: {  	p1 =	slt.u32 s9, $0xF7A;
	s5 =	simm.s32 @!p2 $0x0  }
0x1d: {  	s5 =	simm.s32 @p1 $0x1;
	p0 =	seq.s32 s7, s2  }
0x1e: {  	s7 =	smul.u32 @!p0 $0xF7A, s2;
	p2 =	seq.s32 @!p0 s5, $0x0  }
0x1f: {  	s9 =	smul.u32 $0xF7A, s1;
	s8 =	simm.s32 @!p0 $0x1BF5;
	p2 =	por !p2, p0  }
0x20: {  	[sflag:s8] =	ssyncset.s32 @!p0 $0xFFFFF086;
	s6 =	sadd.s32 @!p0 s3, s7;
	s7 =	simm.s32 @!p0 $0x108  }
0x21: {  	s3 =	sadd.s32 s3, s9;
	s6 =	sadd.s32 @!p0 $0x88, s6;
	s7 =	simm.s32 @p2 $0x1082  }
0x22: {  	[simem:s7], [sflag:s8] =	dma.local @!p0 [hbm:s6], $0xF7A  }
0x23: {  	s9 =	sor.u32 $0xD0000000, s2;
	s6 =	simm.s32 $0x108;
	_ =	swait.ge @!p0 [sflag:s8], $0x0  }
0x24: {  	s3 =	sadd.s32 $0x88, s3;
	s6 =	simm.s32 @!p1 $0x1082;
	[sflag:s4] =	ssyncset.s32 $0xFFFFF086  }
0x25: {  	[simem:s6], [sflag:s4] =	dma.local [hbm:s3], $0xF7A  }
0x26: {  	[smem:$0x3FA0] =	sst s1;
	(tag) =	ssettag s2;
	_ =	strace s9  }
0x27: {  	s1 =	sld [smem:$0x3FB0]  }
0x28: {  	s2 =	sld [smem:$0x3FB1]  }
0x29: {  	s4 =	sld [smem:$0x3FB3]  }
0x2a: {  	p0 =	seq.s32 s5, $0x0;
	s5 =	sld [smem:$0x3FB4]  }
0x2b: {  	s6 =	sld [smem:$0x3FB5]  }
0x2c: {  	s7 =	sld [smem:$0x3FB6]  }
0x2d: {  	s3 =	simm.s32 $0x108;
	s8 =	sld [smem:$0x3FB7]  }
0x2e: {  	s3 =	simm.s32 @!p0 $0x1082;
	s9 =	sld [smem:$0x3FB8]  }
0x2f: {  	lr =	sadd.s32 s0, s3;
	s0 =	sld [smem:$0x3FAF]  }
0x30: {  	s3 =	sld [smem:$0x3FB2]  }
0x31: {  	[smem:$0x3FBB] =	sst s10  }
0x32: {  	s10 =	sld [smem:$0x3FB9];
	_ =	sdelay $0x3  }
0x33: {  	p0 =	seq.s32 s10, $0x1;
	s10 =	sld [smem:$0x3FBB];
	_ =	sdelay $0x3  }
0x34: {  	[smem:$0x3FBB] =	sst s10  }
0x35: {  	s10 =	sld [smem:$0x3FBA];
	_ =	sdelay $0x3  }
0x36: {  	p1 =	seq.s32 s10, $0x1;
	s10 =	sld [smem:$0x3FBB];
	_ =	sdelay $0x3  }
0x37: {  	[smem:$0x3FBB] =	sst s10  }
0x38: {  	s10 =	sld [smem:$0x3FBC]  }
0x39: {  	_ = 	snop;
	(pc) =	sbr.ind lr, $3  }
0x3a: {  	_ = 	snop  }
0x3b: {  	_ = 	snop  }
0x3c: {  	p2 =	seq.s32 s10, $0x1;
	s10 =	sld [smem:$0x3FBB]  }
0x3d: {  	_ =	shalt  }
0x3e: {  	_ =	shalt  }
0x3f: {  	_ =	shalt  }
0x40: {  	_ =	shalt  }
0x41: {  	_ =	shalt  }
0x42: {  	_ =	shalt  }
0x43: {  	_ =	shalt  }
0x44: {  	_ =	shalt  }
0x45: {  	_ =	shalt  }
0x46: {  	_ =	shalt  }
0x47: {  	_ =	shalt  }
0x48: {  	_ =	shalt  }
0x49: {  	_ =	shalt  }
0x4a: {  	_ =	shalt  }
0x4b: {  	_ =	shalt  }
0x4c: {  	_ =	shalt  }
0x4d: {  	_ =	shalt  }
0x4e: {  	_ =	shalt  }
0x4f: {  	_ =	shalt  }
0x50: {  	_ =	shalt  }
0x51: {  	_ =	shalt  }
0x52: {  	_ =	shalt  }
0x53: {  	_ =	shalt  }
0x54: {  	_ =	shalt  }
0x55: {  	_ =	shalt  }
0x56: {  	_ =	shalt  }
0x57: {  	_ =	shalt  }
0x58: {  	_ =	shalt  }
0x59: {  	_ =	shalt  }
0x5a: {  	_ =	shalt  }
0x5b: {  	_ =	shalt  }
0x5c: {  	_ =	shalt  }
0x5d: {  	_ =	shalt  }
0x5e: {  	_ =	shalt  }
0x5f: {  	_ =	shalt  }
0x60: {  	_ =	shalt  }
0x61: {  	_ =	shalt  }
0x62: {  	_ =	shalt  }
0x63: {  	_ =	shalt  }
0x64: {  	_ =	shalt  }
0x65: {  	_ =	shalt  }
0x66: {  	_ =	shalt  }
0x67: {  	_ =	shalt  }
0x68: {  	_ =	shalt  }
0x69: {  	_ =	shalt  }
0x6a: {  	_ =	shalt  }
0x6b: {  	_ =	shalt  }
0x6c: {  	_ =	shalt  }
0x6d: {  	_ =	shalt  }
0x6e: {  	_ =	shalt  }
0x6f: {  	_ =	shalt  }
0x70: {  	_ =	shalt  }
0x71: {  	_ =	shalt  }
0x72: {  	_ =	shalt  }
0x73: {  	_ =	shalt  }
0x74: {  	_ =	shalt  }
0x75: {  	_ =	shalt  }
0x76: {  	_ =	shalt  }
0x77: {  	_ =	shalt  }
0x78: {  	_ =	shalt  }
0x79: {  	_ =	shalt  }
0x7a: {  	_ =	shalt  }
0x7b: {  	_ =	shalt  }
0x7c: {  	_ =	shalt  }
0x7d: {  	_ =	shalt  }
0x7e: {  	_ =	shalt  }
0x7f: {  	_ =	shalt  }
0x80: {  	_ =	shalt  }
0x81: {  	_ =	shalt  }
0x82: {  	_ =	shalt  }
0x83: {  	_ =	shalt  }
0x84: {  	_ =	shalt  }
0x85: {  	_ =	shalt  }
0x86: {  	_ =	shalt  }
0x87: {  	_ =	shalt  }
.Lfunc_end0:
.L_simem_size_0:
called_computation.1_lowered:
.L_overlay_start_0:
0x88: {  	s2 =	sld [smem:$0x3FD9]  }
0x89: {  	s3 =	sld [smem:$0x3FFE];
	_ =	sdelay $0x1  }
0x8a: {  	s1 =	srdreg.scid  }
0x8b: {  	s0 =	sand.u32 $0x1, s1  }
0x8c: {  	s17 =	sshll.u32 s0, $0xA;
	s2 =	sadd.s32 s3, s2  }
0x8d: {  	s2 =	sadd.s32 s2, s17  }
0x8e: {  	[smem:$0x3FC7] =	sst s2  }
0x8f: {  	_ = 	snop  }
0x90: {  	s2 =	sld [smem:$0x3FD0];
	(tm) =	ssettm $0x1  }
0x91: {  	s18 =	sld [smem:$0x3FFB];
	_ =	sdelay $0x3  }
0x92: {  	_ =	strace s18  }
0x93: {  	s3 =	sld [smem:$0x3FFC];
	_ =	sdelay $0x3  }
0x94: {  	_ =	strace s3  }
0x95: {  	s3 =	sld [smem:$0x3FFD];
	_ =	sdelay $0x3  }
0x96: {  	_ =	strace s3  }
0x97: {  	_ =	strace $0x8FFFFFFF  }
0x98: {  	s19 =	sld [smem:$0x3FDB];
	_ =	sdelay $0x1  }
0x99: {  	s4 =	simm.s32 $_scs_section_size  }
0x9a: {  	s5 =	simm.s32 $_size__tile_overlayer_lowered;
	s6 =	simm.s32 $_tile_overlayer_lowered  }
0x9b: {  	s22 =	simm.s32 $0x1BFF;
	s21 =	sshll.u32 s6, $0x1;
	s3 =	sadd.s32 s4, s19  }
0x9c: {  	s7 =	simm.s32 $0x0;
	s20 =	sshll.u32 s5, $0x1;
	s5 =	sadd.s32 s21, s3  }
0x9d: {  	[timem:s7], [sflag:s22] =	dma.local [hbm:s5], s20  }
0x9e: {  	_ =	swait.ge [sflag:s22], s20  }
0x9f: {  	s4 =	ssub.s32 $0x0, s20;
	[sflag:s22] =	ssyncset.done $0x0  }
0xa0: {  	[sflag:s22] =	ssyncadd.s32 s4;
	_ =	sdelay $0x1  }
0xa1: {  	s23 =	simm.s32 $0x1B8B  }
0xa2: {  	_ =	swait.ge [sflag:s23], $0x1  }
0xa3: {  	[sflag:s23] =	ssyncset.done $0x0  }
0xa4: {  	s25 =	simm.s32 $0x1B8E;
	s24 =	sld [smem:$0x3FFE];
	[sflag:s23] =	ssyncadd.s32 $0xFFFFFFFF  }
0xa5: {  	s26 =	simm.s32 $execute0_lowered;
	[smem:$0x3FD2] =	sst s25  }
0xa6: {  	s5 =	sshll.u32 s26, $0x1;
	_ =	strace $0x80000050;
	[dreg:$0x1] =	wrdreg $0xFFFFFFFF  }
0xa7: {  	s28 =	simm.s32 $_size_execute0_lowered;
	s3 =	sadd.s32 s3, s5;
	[dreg:$0x0] =	wrdreg $0x0  }
0xa8: {  	s5 =	sshll.u32 s28, $0x1;
	[dreg:$0x2] =	wrdreg s3  }
0xa9: {  	[dreg:$0x3] =	wrdreg s5  }
0xaa: {  	[dreg:$0x4] =	wrdreg $0xC0  }
0xab: {  	_ =	task [dreg:s7], $0x5FFFF  }
0xac: {  	[dreg:$0x1] =	wrdreg $0xFFFFFFFF  }
0xad: {  	[dreg:$0x0] =	wrdreg $0x60  }
0xae: {  	[dreg:$0x2] =	wrdreg s24  }
0xaf: {  	[dreg:$0x3] =	wrdreg s2  }
0xb0: {  	[dreg:$0x4] =	wrdreg $0x9  }
0xb1: {  	_ =	task.clear_ibuf [dreg:s7], $0x5FFFF;
	_ =	strace $0x90000050  }
0xb2: {  	s29 =	simm.s32 $0x9;
	_ =	strace $0x80000059  }
0xb3: {  	_ =	swait.ge [sflag:s29], $0x1  }
0xb4: {  	[sflag:s29] =	ssyncadd.s32 $0xFFFFFFFF  }
0xb5: {  	_ =	strace $0x90000059  }
0xb6: {  	_ =	sfence  }
0xb7: {  	s30 =	sld [smem:$0x0];
	_ =	sdelay $0x2  }
0xb8: {  	s31 =	sshll.u32 s1, $0xD;
	s1 =	sshrl.u32 s1, $0x2  }
0xb9: {  	s3 =	sand.u32 $0x4000, s31;
	s1 =	sadd.s32 s1, s30  }
0xba: {  	s0 =	sor.u32 s3, s0;
	s1 =	sshll.u32 s1, $0x11  }
0xbb: {  	s0 =	sor.u32 s1, s0  }
0xbc: {  	s0 =	sadd.s32 $0x8F2B, s0  }
0xbd: {  	[sflag:s0] =	ssyncadd.remote.s32 $0x1  }
0xbe: {  	_ =	sfence.sel $0xFFFF  }
0xbf: {  	[dreg:$0x0] =	wrdreg $0xFFFFFFFF;
	(pc) =	sbr.abs _section_cstart, $3  }
0xc0: {  	[dreg:$0x1] =	wrdreg $0xFFFFFFFF  }
0xc1: {  	_ =	task.clear_ibuf [dreg:s7], $0x2FFFF;
	_ =	strace $0x9FFFFFFF  }
0xc2: {  	(tm) =	ssettm $0x7FFFFFFF  }
0xc3: {  	_ =	shalt  }
tec
execute0_lowered:
.L_overlay_start_1:
0x0: {  	(tag) =	ssettag $0x1  }
0x1: {  	s4 =	rddreg [dreg:$0x0]  }
0x2: {  	s1 =	rddreg [dreg:$0x1]  }
0x3: {  	s0 =	rddreg [dreg:$0x2];
	s2 =	simm.s32 $0x0  }
0x4: {  	s3 =	srdreg.scid;
	s31 =	simm.s32 $0x80;
	s9 =	simm.s32 $0x4  }
0x5: {  	s10 =	simm.s32 $0x0;
	[smem:$0x7FF] =	sst s2;
	s5 =	sand.u32 $0x1, s3  }
0x6: {  	s6 =	sadd.s32 $0x1800, s4;
	s3 =	stileid.u32;
	s4 =	sadd.s32 $0x41800, s4  }
0x7: {  	_ =	strace $0x80000051;
	s7 =	sshll.u32 s5, $0x4;
	s5 =	ssub.s32 $0x2, s5  }
0x8: {  	[dreg:$0x3] =	wrdreg s6;
	s29 =	sor.u32 s3, s7;
	s30 =	sshrl.u32 s5, $0x1  }
0x9: {  	[dreg:$0x5] =	wrdreg s4;
	s8 =	smul.u32 $0x140, s29;
	s7 =	ssub.s32 s5, s30  }
0xa: {  	[dreg:$0x4] =	wrdreg s31;
	s4 =	smul.u32 $0x14, s29;
	s6 =	smax.u32 s7, $0x1  }
0xb: {  	s7 =	simm.s32 $0x1;
	s5 =	sadd.s32 s1, s8;
	s8 =	simm.s32 $0x5  }
.LBB2_1:
0xc: {  	_ =	strace $0x80000052;
	s11 =	simm.s32 $0x1;
	p0 =	por $0x0, $0x0  }
0xd: {  	[tilespmem:s2], [sflag:$0x1] =	stream.linear.gather [hbm4b:s5+s2], $0x80, $0x200038;
	[tilespmem:$0x8100] =	vst v63  }
0xe: {  	s11 =	simm.s32 @p0 $0x0  }
0xf: {  	p4 =	por $0x1, $0x1;
	s20 =	sand.u32 $0x1, s2;
	p1 =	sne.s32 s11, $0x0  }
0x10: {  	p2 =	por $0x1, $0x1;
	s18 =	simm.s32 $0x12;
	p0 =	por !p4, !p1  }
0x11: {  	s16 =	simm.s32 $0x0;
	p5 =	por $0x0, $0x0;
	p0 =	por !p0, !p0  }
0x12: {  	s23 =	sadd.s32 $0x0, s4;
	s30 =	sadd.s32 $0x1, s20;
	s12 =	sadd.s32 @p0 s4, s11  }
0x13: {  	_ =	strace $0x90000052;
	s13 =	sand.u32 @p0 $0x1, s7;
	s12 =	sshll.u32 @p0 s12, $0x4  }
0x14: {  	_ =	strace @p0 $0x80000053;
	s15 =	simm.s32 @p0 $0x0;
	s12 =	sand.u32 @p0 $0x1FFFFFF0, s12  }
0x15: {  	s14 =	sshll.u32 @p0 s13, $0x7;
	s13 =	sadd.s32 @p0 $0x1, s13;
	s12 =	sadd.s32 @p0 s1, s12  }
0x16: {  	[tilespmem:s14], [sflag:s13] =	stream.linear.gather @p0 [hbm4b:s12+s15], $0x80, $0x200038;
	[tilespmem:$0x8100] =	vst v63  }
0x17: {  	p3 =	por p2, p2;
	s21 =	sshll.u32 s20, $0xE;
	_ =	strace @p0 $0x90000053  }
0x18: {  	s16 =	sand.u32 $0x80, s16;
	p2 =	por p5, p5;
	_ =	strace $0x80000054  }
0x19: {  	s17 =	sadd.s32 $0x1, s11;
	s22 =	sor.u32 $0x100, s21;
	_ =	swait.ge [sflag:s30], $0x80  }
0x1a: {  	s21 =	simm.s32 $0x1;
	p6 =	por p1, p1;
	[sflag:s30] =	ssyncset.done $0x0  }
0x1b: {  	p1 =	por p3, p3;
	p4 =	por $0x1, $0x1;
	[sflag:s30] =	ssyncadd.s32 $0xFFFFFF80  }
0x1c: {  	s12 =	simm.s32 $0x13;
	s15 =	sand.u32 @!p3 $0x1, s2;
	_ =	strace $0x90000054  }
0x1d: {  	s13 =	simm.s32 $0x1;
	p3 =	seq.s32 s17, $0x14;
	_ =	strace $0x80000055  }
0x1e: {  	s13 =	simm.s32 @!p0 $0x0;
	s17 =	simm.s32 @p3 $0x0;
	s19 =	rddreg [dreg:$0x4]  }
0x1f: {  	p0 =	por $0x0, $0x0;
	s14 =	sadd.s32 $0x1, s13;
	s31 =	rddreg [dreg:$0x3]  }
0x20: {  	[tilespmem:s22], [sflag:$0x5] =	stream.indirect.gather [hbm4b:s31+s19], $0x80, s16, s19, $0x2000b8;
	[tilespmem:$0x8100] =	vst v63  }
0x21: {  	p3 =	sne.s32 s11, s17;
	s21 =	simm.s32 @!p0 $0x0;
	_ =	swait.ge [sflag:s8], $0x4000  }
0x22: {  	p5 =	por !p4, !p3;
	p4 =	por $0x0, $0x0;
	[sflag:s8] =	ssyncset.done $0x0  }
0x23: {  	s13 =	simm.s32 $0x0;
	p6 =	por p4, p6;
	[sflag:s8] =	ssyncadd.s32 $0xFFFFC000  }
0x24: {  	s16 =	simm.s32 $0x0;
	s19 =	simm.s32 $0x0;
	_ =	strace $0x90000055  }
.LBB2_2:
0x25: {  	_ =	strace @p6 $0x80000056;
	s13 =	sadd.s32 s21, s13;
	s21 =	smov.u32 s12  }
0x26: {  	s12 =	smov.u32 s18;
	s18 =	sadd.s32 $0xFFFFFFFF, s18;
	p0 =	por p3, p3  }
0x27: {  	s28 =	sshll.u32 @p6 s23, $0xB;
	s20 =	sadd.s32 @p6 $0x3, s20;
	s24 =	simm.s32 @!p0 $0x0  }
0x28: {  	s25 =	rddreg [dreg:$0x5];
	s28 =	sand.u32 @p6 $0x1FFFF800, s28;
	s24 =	simm.s32 @p0 $0x1  }
0x29: {  	s25 =	sadd.s32 @p6 s25, s28;
	s28 =	simm.s32 @p6 $0x0;
	p0 =	sne.s32 s18, $0x0  }
0x2a: {  	[hbm4b:s25+s28] =	stream.linear.scatter @p6 [tilespmem:s22], [sflag:s20], $0x4000, $0x200038;
	[tilespmem:$0x8100] =	vst v63  }
0x2b: {  	s20 =	sadd.s32 @!p1 $0x3, s15;
	s15 =	simm.s32 @!p0 $0x0  }
0x2c: {  	s26 =	simm.s32 $0x1;
	[smem:$0x7FC] =	sst s24;
	s15 =	simm.s32 @p0 $0x1  }
0x2d: {  	s26 =	simm.s32 @!p6 $0x0;
	_ =	strace @p6 $0x90000056;
	[smem:$0x7FD] =	sst s15  }
0x2e: {  	p5 =	por !p5, !p5;
	s19 =	sadd.s32 s26, s19;
	_ =	strace @!p1 $0x80000057  }
0x2f: {  	s24 =	sand.u32 @!p2 $0x1, s13;
	s22 =	sand.u32 @p5 $0x1, s14;
	_ =	swait.ge @!p1 [sflag:s20], $0x4000  }
0x30: {  	s15 =	smov.u32 s24;
	s24 =	sadd.s32 @p5 s4, s17;
	[sflag:s20] =	ssyncset.done @!p1 $0x0  }
0x31: {  	s25 =	sshll.u32 @p5 s22, $0x7;
	s24 =	sshll.u32 @p5 s24, $0x4;
	[sflag:s20] =	ssyncadd.s32 @!p1 $0xFFFFC000  }
0x32: {  	s20 =	sadd.s32 @p5 $0x1, s22;
	s22 =	sand.u32 @p5 $0x1FFFFFF0, s24;
	_ =	strace @!p1 $0x90000057  }
0x33: {  	s24 =	simm.s32 @p5 $0x0;
	s22 =	sadd.s32 @p5 s1, s22;
	_ =	strace @p5 $0x80000053  }
0x34: {  	[tilespmem:s25], [sflag:s20] =	stream.linear.gather @p5 [hbm4b:s22+s24], $0x80, $0x200038;
	[tilespmem:$0x8100] =	vst v63  }
0x35: {  	s16 =	sadd.s32 s26, s16;
	s26 =	sand.u32 $0x1, s19;
	_ =	strace @p5 $0x90000053  }
0x36: {  	s24 =	sadd.s32 $0x1, s26;
	_ =	strace $0x80000054  }
0x37: {  	_ =	swait.ge [sflag:s24], $0x80  }
0x38: {  	[sflag:s24] =	ssyncset.done $0x0  }
0x39: {  	s20 =	simm.s32 $0x1;
	[sflag:s24] =	ssyncadd.s32 $0xFFFFFF80  }
0x3a: {  	s20 =	simm.s32 @!p5 $0x0;
	_ =	strace $0x90000054  }
0x3b: {  	s14 =	sadd.s32 s20, s14;
	s20 =	sand.u32 $0x1, s16;
	_ =	strace $0x80000055  }
0x3c: {  	s29 =	sshll.u32 s19, $0x7;
	s25 =	sshll.u32 s20, $0xE;
	s26 =	rddreg [dreg:$0x4]  }
0x3d: {  	s29 =	sand.u32 $0x80, s29;
	s22 =	sor.u32 $0x100, s25;
	s30 =	rddreg [dreg:$0x3]  }
0x3e: {  	[tilespmem:s22], [sflag:$0x5] =	stream.indirect.gather [hbm4b:s30+s26], $0x80, s29, s26, $0x2000b8;
	[tilespmem:$0x8100] =	vst v63  }
0x3f: {  	_ =	swait.ge [sflag:s8], $0x4000  }
0x40: {  	s31 =	sadd.s32 $0x1, s17;
	[sflag:s8] =	ssyncset.done $0x0  }
0x41: {  	s23 =	sadd.s32 s4, s11;
	s11 =	smov.u32 s17;
	[sflag:s8] =	ssyncadd.s32 $0xFFFFC000  }
0x42: {  	p3 =	seq.s32 s31, $0x14;
	s17 =	smov.u32 s31;
	_ =	strace $0x90000055  }
0x43: {  	s17 =	simm.s32 @p3 $0x0;
	s31 =	sld [smem:$0x7FD]  }
0x44: {  	p6 =	sne.s32 s12, $0x1;
	p0 =	sne.s32 s21, $0x14;
	p3 =	sne.s32 s11, s17  }
0x45: {  	p5 =	por !p6, !p3;
	p6 =	seq.s32 s21, $0x1;
	s21 =	simm.s32 $0x1  }
0x46: {  	s21 =	simm.s32 @!p0 $0x0;
	p0 =	seq.s32 s31, $0x1  }
.Ltmp0:
0x47: {  	s30 =	sld [smem:$0x7FC];
	(pc) =	sbr.rel @p0 .LBB2_2-.Ltmp0, $4  }
0x48: {  	_ = 	snop  }
0x49: {  	p4 =	seq.s32 s12, $0x14  }
0x4a: {  	p1 =	por p2, p2;
	p2 =	por p4, p4;
	p4 =	seq.s32 s30, $0x1  }
0x4b: {  	p6 =	por p6, p4  }
0x4c: {  	_ =	strace @p6 $0x80000056;
	s23 =	sshll.u32 @p6 s23, $0xB  }
0x4d: {  	s18 =	rddreg [dreg:$0x5];
	s23 =	sand.u32 @p6 $0x1FFFF800, s23  }
0x4e: {  	s20 =	sadd.s32 @p6 $0x3, s20;
	s18 =	sadd.s32 @p6 s18, s23;
	s23 =	simm.s32 @p6 $0x0  }
0x4f: {  	[hbm4b:s18+s23] =	stream.linear.scatter @p6 [tilespmem:s22], [sflag:s20], $0x4000, $0x200038;
	[tilespmem:$0x8100] =	vst v63  }
0x50: {  	p0 =	por !p5, !p5;
	_ =	strace @p6 $0x90000056  }
0x51: {  	s15 =	sadd.s32 @!p1 $0x3, s15;
	s17 =	sadd.s32 @p0 s4, s17;
	_ =	strace @!p1 $0x80000057  }
0x52: {  	s14 =	sand.u32 @p0 $0x1, s14;
	s17 =	sshll.u32 @p0 s17, $0x4;
	_ =	swait.ge @!p1 [sflag:s15], $0x4000  }
0x53: {  	s18 =	simm.s32 $0x1;
	s20 =	sshll.u32 @p0 s14, $0x7;
	[sflag:s15] =	ssyncset.done @!p1 $0x0  }
0x54: {  	s14 =	sadd.s32 @p0 $0x1, s14;
	s18 =	simm.s32 @!p6 $0x0;
	[sflag:s15] =	ssyncadd.s32 @!p1 $0xFFFFC000  }
0x55: {  	s19 =	sadd.s32 s18, s19;
	s15 =	sand.u32 @p0 $0x1FFFFFF0, s17;
	_ =	strace @!p1 $0x90000057  }
0x56: {  	s17 =	simm.s32 @p0 $0x0;
	s15 =	sadd.s32 @p0 s1, s15;
	_ =	strace @p0 $0x80000053  }
0x57: {  	[tilespmem:s20], [sflag:s14] =	stream.linear.gather @p0 [hbm4b:s15+s17], $0x80, $0x200038;
	[tilespmem:$0x8100] =	vst v63  }
0x58: {  	s25 =	sand.u32 $0x1, s19;
	_ =	strace @p0 $0x90000053  }
0x59: {  	s14 =	sadd.s32 $0x1, s25;
	_ =	strace $0x80000054  }
0x5a: {  	_ =	swait.ge [sflag:s14], $0x80  }
0x5b: {  	[sflag:s14] =	ssyncset.done $0x0  }
0x5c: {  	[sflag:s14] =	ssyncadd.s32 $0xFFFFFF80  }
0x5d: {  	s26 =	sadd.s32 s18, s16;
	_ =	strace $0x90000054  }
0x5e: {  	s14 =	sand.u32 $0x1, s26;
	_ =	strace $0x80000055  }
0x5f: {  	s30 =	sshll.u32 s19, $0x7;
	s31 =	sshll.u32 s14, $0xE;
	s28 =	rddreg [dreg:$0x4]  }
0x60: {  	s17 =	sand.u32 $0x80, s30;
	s18 =	sor.u32 $0x100, s31;
	s29 =	rddreg [dreg:$0x3]  }
0x61: {  	[tilespmem:s18], [sflag:$0x5] =	stream.indirect.gather [hbm4b:s29+s28], $0x80, s17, s28, $0x2000b8;
	[tilespmem:$0x8100] =	vst v63  }
0x62: {  	_ =	swait.ge [sflag:s8], $0x4000  }
0x63: {  	[sflag:s8] =	ssyncset.done $0x0  }
0x64: {  	p5 =	por p3, p3;
	p6 =	seq.s32 s12, $0x1;
	[sflag:s8] =	ssyncadd.s32 $0xFFFFC000  }
0x65: {  	s11 =	sadd.s32 s4, s11;
	p0 =	por p6, p5;
	_ =	strace $0x90000055  }
0x66: {  	s11 =	sshll.u32 @p0 s11, $0xB;
	_ =	strace @p0 $0x80000056  }
0x67: {  	s13 =	sadd.s32 s21, s13;
	s11 =	sand.u32 @p0 $0x1FFFF800, s11;
	s12 =	rddreg [dreg:$0x5]  }
0x68: {  	s14 =	sadd.s32 @p0 $0x3, s14;
	s11 =	sadd.s32 @p0 s12, s11;
	s12 =	simm.s32 @p0 $0x0  }
0x69: {  	[hbm4b:s11+s12] =	stream.linear.scatter @p0 [tilespmem:s18], [sflag:s14], $0x4000, $0x200038;
	[tilespmem:$0x8100] =	vst v63  }
0x6a: {  	p1 =	por p2, p2;
	s11 =	sand.u32 @!p2 $0x1, s13;
	_ =	strace @p0 $0x90000056  }
0x6b: {  	s11 =	sadd.s32 @!p1 $0x3, s11;
	_ =	strace @!p1 $0x80000057  }
0x6c: {  	_ =	swait.ge @!p1 [sflag:s11], $0x4000  }
0x6d: {  	[sflag:s11] =	ssyncset.done @!p1 $0x0  }
0x6e: {  	s10 =	sadd.s32 $0x1, s10;
	[sflag:s11] =	ssyncadd.s32 @!p1 $0xFFFFC000  }
0x6f: {  	p0 =	sne.s32 s10, s6;
	_ =	strace @!p1 $0x90000057  }
.Ltmp1:
0x70: {  	_ =	strace $0x80000058;
	(pc) =	sbr.rel @p0 .LBB2_1-.Ltmp1, $4  }
0x71: {  	_ =	swait.ge [sflag:s9], $0x4000  }
0x72: {  	[sflag:s9] =	ssyncset.done $0x0  }
0x73: {  	[sflag:s9] =	ssyncadd.s32 $0xFFFFC000  }
0x74: {  	_ =	strace $0x90000058  }
0x75: {  	_ =	sfence.sel $0x180000  }
0x76: {  	[bflag:$0x0] =	sbarrier.arrive $0xFFFF  }
0x77: {  	p0 =	sne.s32 s3, $0x0;
	_ =	strace $0x90000051  }
0x78: {  	s0 =	sadd.s32 @!p0 $0x100000, s0;
	[bflag:$0x2] =	sbarrier.arrive $0xFFFF  }
0x79: {  	[sflag:s0] =	ssyncadd.tile.s32 @!p0 $0x1;
	_ =	shalt  }
.Lfunc_end2:
_tile_overlayer_lowered:
.L_overlay_start_2:
0x7a: {  	(tag) =	ssettag $0x2  }
0x7b: {  	s0 =	rddreg [dreg:$0x0];
	s2 =	stileid.u32  }
0x7c: {  	s1 =	rddreg [dreg:$0x1];
	p0 =	sne.s32 s2, $0x0  }
0x7d: {  	s3 =	rddreg [dreg:$0x2];
	[bflag:$0x3] =	sbarrier.arrive $0xFFFF;
	s2 =	simm.s32 @!p0 $0x1C01  }
0x7e: {  	[timem:s3], [sflag:s2] =	dma.local @!p0 [hbm:s0], s1  }
0x7f: {  	s0 =	simm.s32 @!p0 $0x1  }
0x80: {  	_ =	swait.ge @!p0 [sflag:s0], s1  }
0x81: {  	s1 =	ssub.s32 @!p0 $0x0, s1;
	[sflag:s0] =	ssyncset.done @!p0 $0x0  }
0x82: {  	[sflag:s0] =	ssyncadd.s32 @!p0 s1  }
0x83: {  	[bflag:$0x3] =	sbarrier.arrive $0xFFFF  }
0x84: {  	_ =	shalt  }

// kernel: kernel.8.cloned.1.call-start
scs
__scs_entry_jumppad:
0x0: {  	(pc) =	sbr.rel $0x88, $3  }
0x1: {  	(tag) =	ssettag $0x0;
	lr =	simm.s32 $0x1  }
0x2: {  	[smem:$0x3FA0] =	sst lr;
	_ =	strace $0xD0000000  }
0x3: {  	_ = 	snop  }
0x4: {  	_ = 	snop  }
0x5: {  	_ = 	snop  }
0x6: {  	_ = 	snop  }
0x7: {  	_ = 	snop  }
__scs_overlays_trampoline_lowered:
0x8: {  	[smem:$0x3FAF] =	sst s0  }
0x9: {  	[smem:$0x3FB0] =	sst s1  }
0xa: {  	[smem:$0x3FB1] =	sst s2  }
0xb: {  	[smem:$0x3FB2] =	sst s3  }
0xc: {  	[smem:$0x3FB3] =	sst s4  }
0xd: {  	[smem:$0x3FB4] =	sst s5  }
0xe: {  	[smem:$0x3FB5] =	sst s6  }
0xf: {  	[smem:$0x3FB6] =	sst s7  }
0x10: {  	[smem:$0x3FB7] =	sst s8  }
0x11: {  	[smem:$0x3FB8] =	sst s9;
	s0 =	simm.s32 @!p0 $0x0  }
0x12: {  	s1 =	sld [smem:$0x3F9E];
	s0 =	simm.s32 @p0 $0x1  }
0x13: {  	[smem:$0x3FB9] =	sst s0;
	s0 =	simm.s32 @!p1 $0x0  }
0x14: {  	s2 =	sld [smem:$0x3F9D];
	s0 =	simm.s32 @p1 $0x1  }
0x15: {  	[smem:$0x3FBA] =	sst s0;
	s0 =	simm.s32 @!p2 $0x0  }
0x16: {  	s3 =	sld [smem:$0x3FDB];
	s0 =	simm.s32 @p2 $0x1  }
0x17: {  	s4 =	simm.s32 $0x1BF5;
	[smem:$0x3FBC] =	sst s0  }
0x18: {  	s0 =	sld [smem:$0x3F9F];
	_ =	swait.ge [sflag:s4], $0x0  }
0x19: {  	s7 =	sld [smem:$0x3FA0]  }
0x1a: {  	s8 =	sadd.s32 $0xFFFFE003, lr  }
0x1b: {  	s9 =	sadd.s32 $0xFFFFFEF7, lr;
	s5 =	simm.s32 $0xFFFFFFFF;
	p2 =	slt.u32 s8, $0xFFFFF086  }
0x1c: {  	p1 =	slt.u32 s9, $0xF7A;
	s5 =	simm.s32 @!p2 $0x0  }
0x1d: {  	s5 =	simm.s32 @p1 $0x1;
	p0 =	seq.s32 s7, s2  }
0x1e: {  	s7 =	smul.u32 @!p0 $0xF7A, s2;
	p2 =	seq.s32 @!p0 s5, $0x0  }
0x1f: {  	s9 =	smul.u32 $0xF7A, s1;
	s8 =	simm.s32 @!p0 $0x1BF5;
	p2 =	por !p2, p0  }
0x20: {  	[sflag:s8] =	ssyncset.s32 @!p0 $0xFFFFF086;
	s6 =	sadd.s32 @!p0 s3, s7;
	s7 =	simm.s32 @!p0 $0x108  }
0x21: {  	s3 =	sadd.s32 s3, s9;
	s6 =	sadd.s32 @!p0 $0x88, s6;
	s7 =	simm.s32 @p2 $0x1082  }
0x22: {  	[simem:s7], [sflag:s8] =	dma.local @!p0 [hbm:s6], $0xF7A  }
0x23: {  	s9 =	sor.u32 $0xD0000000, s2;
	s6 =	simm.s32 $0x108;
	_ =	swait.ge @!p0 [sflag:s8], $0x0  }
0x24: {  	s3 =	sadd.s32 $0x88, s3;
	s6 =	simm.s32 @!p1 $0x1082;
	[sflag:s4] =	ssyncset.s32 $0xFFFFF086  }
0x25: {  	[simem:s6], [sflag:s4] =	dma.local [hbm:s3], $0xF7A  }
0x26: {  	[smem:$0x3FA0] =	sst s1;
	(tag) =	ssettag s2;
	_ =	strace s9  }
0x27: {  	s1 =	sld [smem:$0x3FB0]  }
0x28: {  	s2 =	sld [smem:$0x3FB1]  }
0x29: {  	s4 =	sld [smem:$0x3FB3]  }
0x2a: {  	p0 =	seq.s32 s5, $0x0;
	s5 =	sld [smem:$0x3FB4]  }
0x2b: {  	s6 =	sld [smem:$0x3FB5]  }
0x2c: {  	s7 =	sld [smem:$0x3FB6]  }
0x2d: {  	s3 =	simm.s32 $0x108;
	s8 =	sld [smem:$0x3FB7]  }
0x2e: {  	s3 =	simm.s32 @!p0 $0x1082;
	s9 =	sld [smem:$0x3FB8]  }
0x2f: {  	lr =	sadd.s32 s0, s3;
	s0 =	sld [smem:$0x3FAF]  }
0x30: {  	s3 =	sld [smem:$0x3FB2]  }
0x31: {  	[smem:$0x3FBB] =	sst s10  }
0x32: {  	s10 =	sld [smem:$0x3FB9];
	_ =	sdelay $0x3  }
0x33: {  	p0 =	seq.s32 s10, $0x1;
	s10 =	sld [smem:$0x3FBB];
	_ =	sdelay $0x3  }
0x34: {  	[smem:$0x3FBB] =	sst s10  }
0x35: {  	s10 =	sld [smem:$0x3FBA];
	_ =	sdelay $0x3  }
0x36: {  	p1 =	seq.s32 s10, $0x1;
	s10 =	sld [smem:$0x3FBB];
	_ =	sdelay $0x3  }
0x37: {  	[smem:$0x3FBB] =	sst s10  }
0x38: {  	s10 =	sld [smem:$0x3FBC]  }
0x39: {  	_ = 	snop;
	(pc) =	sbr.ind lr, $3  }
0x3a: {  	_ = 	snop  }
0x3b: {  	_ = 	snop  }
0x3c: {  	p2 =	seq.s32 s10, $0x1;
	s10 =	sld [smem:$0x3FBB]  }
0x3d: {  	_ =	shalt  }
0x3e: {  	_ =	shalt  }
0x3f: {  	_ =	shalt  }
0x40: {  	_ =	shalt  }
0x41: {  	_ =	shalt  }
0x42: {  	_ =	shalt  }
0x43: {  	_ =	shalt  }
0x44: {  	_ =	shalt  }
0x45: {  	_ =	shalt  }
0x46: {  	_ =	shalt  }
0x47: {  	_ =	shalt  }
0x48: {  	_ =	shalt  }
0x49: {  	_ =	shalt  }
0x4a: {  	_ =	shalt  }
0x4b: {  	_ =	shalt  }
0x4c: {  	_ =	shalt  }
0x4d: {  	_ =	shalt  }
0x4e: {  	_ =	shalt  }
0x4f: {  	_ =	shalt  }
0x50: {  	_ =	shalt  }
0x51: {  	_ =	shalt  }
0x52: {  	_ =	shalt  }
0x53: {  	_ =	shalt  }
0x54: {  	_ =	shalt  }
0x55: {  	_ =	shalt  }
0x56: {  	_ =	shalt  }
0x57: {  	_ =	shalt  }
0x58: {  	_ =	shalt  }
0x59: {  	_ =	shalt  }
0x5a: {  	_ =	shalt  }
0x5b: {  	_ =	shalt  }
0x5c: {  	_ =	shalt  }
0x5d: {  	_ =	shalt  }
0x5e: {  	_ =	shalt  }
0x5f: {  	_ =	shalt  }
0x60: {  	_ =	shalt  }
0x61: {  	_ =	shalt  }
0x62: {  	_ =	shalt  }
0x63: {  	_ =	shalt  }
0x64: {  	_ =	shalt  }
0x65: {  	_ =	shalt  }
0x66: {  	_ =	shalt  }
0x67: {  	_ =	shalt  }
0x68: {  	_ =	shalt  }
0x69: {  	_ =	shalt  }
0x6a: {  	_ =	shalt  }
0x6b: {  	_ =	shalt  }
0x6c: {  	_ =	shalt  }
0x6d: {  	_ =	shalt  }
0x6e: {  	_ =	shalt  }
0x6f: {  	_ =	shalt  }
0x70: {  	_ =	shalt  }
0x71: {  	_ =	shalt  }
0x72: {  	_ =	shalt  }
0x73: {  	_ =	shalt  }
0x74: {  	_ =	shalt  }
0x75: {  	_ =	shalt  }
0x76: {  	_ =	shalt  }
0x77: {  	_ =	shalt  }
0x78: {  	_ =	shalt  }
0x79: {  	_ =	shalt  }
0x7a: {  	_ =	shalt  }
0x7b: {  	_ =	shalt  }
0x7c: {  	_ =	shalt  }
0x7d: {  	_ =	shalt  }
0x7e: {  	_ =	shalt  }
0x7f: {  	_ =	shalt  }
0x80: {  	_ =	shalt  }
0x81: {  	_ =	shalt  }
0x82: {  	_ =	shalt  }
0x83: {  	_ =	shalt  }
0x84: {  	_ =	shalt  }
0x85: {  	_ =	shalt  }
0x86: {  	_ =	shalt  }
0x87: {  	_ =	shalt  }
.Lfunc_end0:
.L_simem_size_0:
called_computation_lowered:
.L_overlay_start_0:
0x88: {  	s2 =	sld [smem:$0x3FD9]  }
0x89: {  	s3 =	sld [smem:$0x3FFE];
	_ =	sdelay $0x1  }
0x8a: {  	s1 =	srdreg.scid  }
0x8b: {  	s0 =	sand.u32 $0x1, s1  }
0x8c: {  	s17 =	sshll.u32 s0, $0xA;
	s2 =	sadd.s32 s3, s2  }
0x8d: {  	s2 =	sadd.s32 s2, s17  }
0x8e: {  	[smem:$0x3FC7] =	sst s2  }
0x8f: {  	_ = 	snop  }
0x90: {  	s2 =	sld [smem:$0x3FD0];
	(tm) =	ssettm $0x1  }
0x91: {  	s18 =	sld [smem:$0x3FFB];
	_ =	sdelay $0x3  }
0x92: {  	_ =	strace s18  }
0x93: {  	s3 =	sld [smem:$0x3FFC];
	_ =	sdelay $0x3  }
0x94: {  	_ =	strace s3  }
0x95: {  	s3 =	sld [smem:$0x3FFD];
	_ =	sdelay $0x3  }
0x96: {  	_ =	strace s3  }
0x97: {  	_ =	strace $0x8FFFFFFF  }
0x98: {  	s19 =	sld [smem:$0x3FDB];
	_ =	sdelay $0x1  }
0x99: {  	s4 =	simm.s32 $_scs_section_size  }
0x9a: {  	s5 =	simm.s32 $_size__tile_overlayer_lowered;
	s6 =	simm.s32 $_tile_overlayer_lowered  }
0x9b: {  	s22 =	simm.s32 $0x1BFF;
	s21 =	sshll.u32 s6, $0x1;
	s3 =	sadd.s32 s4, s19  }
0x9c: {  	s7 =	simm.s32 $0x0;
	s20 =	sshll.u32 s5, $0x1;
	s5 =	sadd.s32 s21, s3  }
0x9d: {  	[timem:s7], [sflag:s22] =	dma.local [hbm:s5], s20  }
0x9e: {  	_ =	swait.ge [sflag:s22], s20  }
0x9f: {  	s4 =	ssub.s32 $0x0, s20;
	[sflag:s22] =	ssyncset.done $0x0  }
0xa0: {  	[sflag:s22] =	ssyncadd.s32 s4;
	_ =	sdelay $0x1  }
0xa1: {  	s23 =	simm.s32 $0x1B8B  }
0xa2: {  	_ =	swait.ge [sflag:s23], $0x1  }
0xa3: {  	[sflag:s23] =	ssyncset.done $0x0  }
0xa4: {  	s25 =	simm.s32 $0x1B8E;
	s24 =	sld [smem:$0x3FFE];
	[sflag:s23] =	ssyncadd.s32 $0xFFFFFFFF  }
0xa5: {  	s26 =	simm.s32 $execute0_lowered;
	[smem:$0x3FD2] =	sst s25  }
0xa6: {  	s5 =	sshll.u32 s26, $0x1;
	_ =	strace $0x80000046;
	[dreg:$0x1] =	wrdreg $0xFFFFFFFF  }
0xa7: {  	s28 =	simm.s32 $_size_execute0_lowered;
	s3 =	sadd.s32 s3, s5;
	[dreg:$0x0] =	wrdreg $0x0  }
0xa8: {  	s5 =	sshll.u32 s28, $0x1;
	[dreg:$0x2] =	wrdreg s3  }
0xa9: {  	[dreg:$0x3] =	wrdreg s5  }
0xaa: {  	[dreg:$0x4] =	wrdreg $0xC0  }
0xab: {  	_ =	task [dreg:s7], $0x5FFFF  }
0xac: {  	[dreg:$0x1] =	wrdreg $0xFFFFFFFF  }
0xad: {  	[dreg:$0x0] =	wrdreg $0x60  }
0xae: {  	[dreg:$0x2] =	wrdreg s24  }
0xaf: {  	[dreg:$0x3] =	wrdreg s2  }
0xb0: {  	[dreg:$0x4] =	wrdreg $0x9  }
0xb1: {  	_ =	task.clear_ibuf [dreg:s7], $0x5FFFF;
	_ =	strace $0x90000046  }
0xb2: {  	s29 =	simm.s32 $0x9;
	_ =	strace $0x8000004F  }
0xb3: {  	_ =	swait.ge [sflag:s29], $0x1  }
0xb4: {  	[sflag:s29] =	ssyncadd.s32 $0xFFFFFFFF  }
0xb5: {  	_ =	strace $0x9000004F  }
0xb6: {  	_ =	sfence  }
0xb7: {  	s30 =	sld [smem:$0x0];
	_ =	sdelay $0x2  }
0xb8: {  	s31 =	sshll.u32 s1, $0xD;
	s1 =	sshrl.u32 s1, $0x2  }
0xb9: {  	s3 =	sand.u32 $0x4000, s31;
	s1 =	sadd.s32 s1, s30  }
0xba: {  	s0 =	sor.u32 s3, s0;
	s1 =	sshll.u32 s1, $0x11  }
0xbb: {  	s0 =	sor.u32 s1, s0  }
0xbc: {  	s0 =	sadd.s32 $0x8F2B, s0  }
0xbd: {  	[sflag:s0] =	ssyncadd.remote.s32 $0x1  }
0xbe: {  	_ =	sfence.sel $0xFFFF  }
0xbf: {  	[dreg:$0x0] =	wrdreg $0xFFFFFFFF;
	(pc) =	sbr.abs _section_cstart, $3  }
0xc0: {  	[dreg:$0x1] =	wrdreg $0xFFFFFFFF  }
0xc1: {  	_ =	task.clear_ibuf [dreg:s7], $0x2FFFF;
	_ =	strace $0x9FFFFFFF  }
0xc2: {  	(tm) =	ssettm $0x7FFFFFFF  }
0xc3: {  	_ =	shalt  }
tec
execute0_lowered:
.L_overlay_start_1:
0x0: {  	(tag) =	ssettag $0x1  }
0x1: {  	s4 =	rddreg [dreg:$0x0]  }
0x2: {  	s1 =	rddreg [dreg:$0x1]  }
0x3: {  	s0 =	rddreg [dreg:$0x2];
	s2 =	simm.s32 $0x0  }
0x4: {  	s3 =	srdreg.scid;
	s31 =	simm.s32 $0x80;
	s9 =	simm.s32 $0x4  }
0x5: {  	s10 =	simm.s32 $0x0;
	[smem:$0x7FF] =	sst s2;
	s5 =	sand.u32 $0x1, s3  }
0x6: {  	s6 =	sadd.s32 $0x41800, s4;
	s3 =	stileid.u32;
	s4 =	sadd.s32 $0x2082000, s4  }
0x7: {  	_ =	strace $0x80000047;
	s7 =	sshll.u32 s5, $0x4;
	s5 =	ssub.s32 $0x2, s5  }
0x8: {  	[dreg:$0x3] =	wrdreg s6;
	s29 =	sor.u32 s3, s7;
	s30 =	sshrl.u32 s5, $0x1  }
0x9: {  	[dreg:$0x5] =	wrdreg s4;
	s8 =	smul.u32 $0x140, s29;
	s7 =	ssub.s32 s5, s30  }
0xa: {  	[dreg:$0x4] =	wrdreg s31;
	s4 =	smul.u32 $0x14, s29;
	s6 =	smax.u32 s7, $0x1  }
0xb: {  	s7 =	simm.s32 $0x1;
	s5 =	sadd.s32 s1, s8;
	s8 =	simm.s32 $0x5  }
.LBB2_1:
0xc: {  	_ =	strace $0x80000048;
	s11 =	simm.s32 $0x1;
	p0 =	por $0x0, $0x0  }
0xd: {  	[tilespmem:s2], [sflag:$0x1] =	stream.linear.gather [hbm4b:s5+s2], $0x80, $0x200038;
	[tilespmem:$0x8100] =	vst v63  }
0xe: {  	s11 =	simm.s32 @p0 $0x0  }
0xf: {  	p4 =	por $0x1, $0x1;
	s20 =	sand.u32 $0x1, s2;
	p1 =	sne.s32 s11, $0x0  }
0x10: {  	p2 =	por $0x1, $0x1;
	s18 =	simm.s32 $0x12;
	p0 =	por !p4, !p1  }
0x11: {  	s16 =	simm.s32 $0x0;
	p5 =	por $0x0, $0x0;
	p0 =	por !p0, !p0  }
0x12: {  	s23 =	sadd.s32 $0x0, s4;
	s30 =	sadd.s32 $0x1, s20;
	s12 =	sadd.s32 @p0 s4, s11  }
0x13: {  	_ =	strace $0x90000048;
	s13 =	sand.u32 @p0 $0x1, s7;
	s12 =	sshll.u32 @p0 s12, $0x4  }
0x14: {  	_ =	strace @p0 $0x80000049;
	s15 =	simm.s32 @p0 $0x0;
	s12 =	sand.u32 @p0 $0x1FFFFFF0, s12  }
0x15: {  	s14 =	sshll.u32 @p0 s13, $0x7;
	s13 =	sadd.s32 @p0 $0x1, s13;
	s12 =	sadd.s32 @p0 s1, s12  }
0x16: {  	[tilespmem:s14], [sflag:s13] =	stream.linear.gather @p0 [hbm4b:s12+s15], $0x80, $0x200038;
	[tilespmem:$0x8100] =	vst v63  }
0x17: {  	p3 =	por p2, p2;
	s21 =	sshll.u32 s20, $0xE;
	_ =	strace @p0 $0x90000049  }
0x18: {  	s16 =	sand.u32 $0x80, s16;
	p2 =	por p5, p5;
	_ =	strace $0x8000004A  }
0x19: {  	s17 =	sadd.s32 $0x1, s11;
	s22 =	sor.u32 $0x100, s21;
	_ =	swait.ge [sflag:s30], $0x80  }
0x1a: {  	s21 =	simm.s32 $0x1;
	p6 =	por p1, p1;
	[sflag:s30] =	ssyncset.done $0x0  }
0x1b: {  	p1 =	por p3, p3;
	p4 =	por $0x1, $0x1;
	[sflag:s30] =	ssyncadd.s32 $0xFFFFFF80  }
0x1c: {  	s12 =	simm.s32 $0x13;
	s15 =	sand.u32 @!p3 $0x1, s2;
	_ =	strace $0x9000004A  }
0x1d: {  	s13 =	simm.s32 $0x1;
	p3 =	seq.s32 s17, $0x14;
	_ =	strace $0x8000004B  }
0x1e: {  	s13 =	simm.s32 @!p0 $0x0;
	s17 =	simm.s32 @p3 $0x0;
	s19 =	rddreg [dreg:$0x4]  }
0x1f: {  	p0 =	por $0x0, $0x0;
	s14 =	sadd.s32 $0x1, s13;
	s31 =	rddreg [dreg:$0x3]  }
0x20: {  	[tilespmem:s22], [sflag:$0x5] =	stream.indirect.gather [hbm4b:s31+s19], $0x80, s16, s19, $0x2000b8;
	[tilespmem:$0x8100] =	vst v63  }
0x21: {  	p3 =	sne.s32 s11, s17;
	s21 =	simm.s32 @!p0 $0x0;
	_ =	swait.ge [sflag:s8], $0x4000  }
0x22: {  	p5 =	por !p4, !p3;
	p4 =	por $0x0, $0x0;
	[sflag:s8] =	ssyncset.done $0x0  }
0x23: {  	s13 =	simm.s32 $0x0;
	p6 =	por p4, p6;
	[sflag:s8] =	ssyncadd.s32 $0xFFFFC000  }
0x24: {  	s16 =	simm.s32 $0x0;
	s19 =	simm.s32 $0x0;
	_ =	strace $0x9000004B  }
.LBB2_2:
0x25: {  	_ =	strace @p6 $0x8000004C;
	s13 =	sadd.s32 s21, s13;
	s21 =	smov.u32 s12  }
0x26: {  	s12 =	smov.u32 s18;
	s18 =	sadd.s32 $0xFFFFFFFF, s18;
	p0 =	por p3, p3  }
0x27: {  	s28 =	sshll.u32 @p6 s23, $0xB;
	s20 =	sadd.s32 @p6 $0x3, s20;
	s24 =	simm.s32 @!p0 $0x0  }
0x28: {  	s25 =	rddreg [dreg:$0x5];
	s28 =	sand.u32 @p6 $0x1FFFF800, s28;
	s24 =	simm.s32 @p0 $0x1  }
0x29: {  	s25 =	sadd.s32 @p6 s25, s28;
	s28 =	simm.s32 @p6 $0x0;
	p0 =	sne.s32 s18, $0x0  }
0x2a: {  	[hbm4b:s25+s28] =	stream.linear.scatter @p6 [tilespmem:s22], [sflag:s20], $0x4000, $0x200038;
	[tilespmem:$0x8100] =	vst v63  }
0x2b: {  	s20 =	sadd.s32 @!p1 $0x3, s15;
	s15 =	simm.s32 @!p0 $0x0  }
0x2c: {  	s26 =	simm.s32 $0x1;
	[smem:$0x7FC] =	sst s24;
	s15 =	simm.s32 @p0 $0x1  }
0x2d: {  	s26 =	simm.s32 @!p6 $0x0;
	_ =	strace @p6 $0x9000004C;
	[smem:$0x7FD] =	sst s15  }
0x2e: {  	p5 =	por !p5, !p5;
	s19 =	sadd.s32 s26, s19;
	_ =	strace @!p1 $0x8000004D  }
0x2f: {  	s24 =	sand.u32 @!p2 $0x1, s13;
	s22 =	sand.u32 @p5 $0x1, s14;
	_ =	swait.ge @!p1 [sflag:s20], $0x4000  }
0x30: {  	s15 =	smov.u32 s24;
	s24 =	sadd.s32 @p5 s4, s17;
	[sflag:s20] =	ssyncset.done @!p1 $0x0  }
0x31: {  	s25 =	sshll.u32 @p5 s22, $0x7;
	s24 =	sshll.u32 @p5 s24, $0x4;
	[sflag:s20] =	ssyncadd.s32 @!p1 $0xFFFFC000  }
0x32: {  	s20 =	sadd.s32 @p5 $0x1, s22;
	s22 =	sand.u32 @p5 $0x1FFFFFF0, s24;
	_ =	strace @!p1 $0x9000004D  }
0x33: {  	s24 =	simm.s32 @p5 $0x0;
	s22 =	sadd.s32 @p5 s1, s22;
	_ =	strace @p5 $0x80000049  }
0x34: {  	[tilespmem:s25], [sflag:s20] =	stream.linear.gather @p5 [hbm4b:s22+s24], $0x80, $0x200038;
	[tilespmem:$0x8100] =	vst v63  }
0x35: {  	s16 =	sadd.s32 s26, s16;
	s26 =	sand.u32 $0x1, s19;
	_ =	strace @p5 $0x90000049  }
0x36: {  	s24 =	sadd.s32 $0x1, s26;
	_ =	strace $0x8000004A  }
0x37: {  	_ =	swait.ge [sflag:s24], $0x80  }
0x38: {  	[sflag:s24] =	ssyncset.done $0x0  }
0x39: {  	s20 =	simm.s32 $0x1;
	[sflag:s24] =	ssyncadd.s32 $0xFFFFFF80  }
0x3a: {  	s20 =	simm.s32 @!p5 $0x0;
	_ =	strace $0x9000004A  }
0x3b: {  	s14 =	sadd.s32 s20, s14;
	s20 =	sand.u32 $0x1, s16;
	_ =	strace $0x8000004B  }
0x3c: {  	s29 =	sshll.u32 s19, $0x7;
	s25 =	sshll.u32 s20, $0xE;
	s26 =	rddreg [dreg:$0x4]  }
0x3d: {  	s29 =	sand.u32 $0x80, s29;
	s22 =	sor.u32 $0x100, s25;
	s30 =	rddreg [dreg:$0x3]  }
0x3e: {  	[tilespmem:s22], [sflag:$0x5] =	stream.indirect.gather [hbm4b:s30+s26], $0x80, s29, s26, $0x2000b8;
	[tilespmem:$0x8100] =	vst v63  }
0x3f: {  	_ =	swait.ge [sflag:s8], $0x4000  }
0x40: {  	s31 =	sadd.s32 $0x1, s17;
	[sflag:s8] =	ssyncset.done $0x0  }
0x41: {  	s23 =	sadd.s32 s4, s11;
	s11 =	smov.u32 s17;
	[sflag:s8] =	ssyncadd.s32 $0xFFFFC000  }
0x42: {  	p3 =	seq.s32 s31, $0x14;
	s17 =	smov.u32 s31;
	_ =	strace $0x9000004B  }
0x43: {  	s17 =	simm.s32 @p3 $0x0;
	s31 =	sld [smem:$0x7FD]  }
0x44: {  	p6 =	sne.s32 s12, $0x1;
	p0 =	sne.s32 s21, $0x14;
	p3 =	sne.s32 s11, s17  }
0x45: {  	p5 =	por !p6, !p3;
	p6 =	seq.s32 s21, $0x1;
	s21 =	simm.s32 $0x1  }
0x46: {  	s21 =	simm.s32 @!p0 $0x0;
	p0 =	seq.s32 s31, $0x1  }
.Ltmp0:
0x47: {  	s30 =	sld [smem:$0x7FC];
	(pc) =	sbr.rel @p0 .LBB2_2-.Ltmp0, $4  }
0x48: {  	_ = 	snop  }
0x49: {  	p4 =	seq.s32 s12, $0x14  }
0x4a: {  	p1 =	por p2, p2;
	p2 =	por p4, p4;
	p4 =	seq.s32 s30, $0x1  }
0x4b: {  	p6 =	por p6, p4  }
0x4c: {  	_ =	strace @p6 $0x8000004C;
	s23 =	sshll.u32 @p6 s23, $0xB  }
0x4d: {  	s18 =	rddreg [dreg:$0x5];
	s23 =	sand.u32 @p6 $0x1FFFF800, s23  }
0x4e: {  	s20 =	sadd.s32 @p6 $0x3, s20;
	s18 =	sadd.s32 @p6 s18, s23;
	s23 =	simm.s32 @p6 $0x0  }
0x4f: {  	[hbm4b:s18+s23] =	stream.linear.scatter @p6 [tilespmem:s22], [sflag:s20], $0x4000, $0x200038;
	[tilespmem:$0x8100] =	vst v63  }
0x50: {  	p0 =	por !p5, !p5;
	_ =	strace @p6 $0x9000004C  }
0x51: {  	s15 =	sadd.s32 @!p1 $0x3, s15;
	s17 =	sadd.s32 @p0 s4, s17;
	_ =	strace @!p1 $0x8000004D  }
0x52: {  	s14 =	sand.u32 @p0 $0x1, s14;
	s17 =	sshll.u32 @p0 s17, $0x4;
	_ =	swait.ge @!p1 [sflag:s15], $0x4000  }
0x53: {  	s18 =	simm.s32 $0x1;
	s20 =	sshll.u32 @p0 s14, $0x7;
	[sflag:s15] =	ssyncset.done @!p1 $0x0  }
0x54: {  	s14 =	sadd.s32 @p0 $0x1, s14;
	s18 =	simm.s32 @!p6 $0x0;
	[sflag:s15] =	ssyncadd.s32 @!p1 $0xFFFFC000  }
0x55: {  	s19 =	sadd.s32 s18, s19;
	s15 =	sand.u32 @p0 $0x1FFFFFF0, s17;
	_ =	strace @!p1 $0x9000004D  }
0x56: {  	s17 =	simm.s32 @p0 $0x0;
	s15 =	sadd.s32 @p0 s1, s15;
	_ =	strace @p0 $0x80000049  }
0x57: {  	[tilespmem:s20], [sflag:s14] =	stream.linear.gather @p0 [hbm4b:s15+s17], $0x80, $0x200038;
	[tilespmem:$0x8100] =	vst v63  }
0x58: {  	s25 =	sand.u32 $0x1, s19;
	_ =	strace @p0 $0x90000049  }
0x59: {  	s14 =	sadd.s32 $0x1, s25;
	_ =	strace $0x8000004A  }
0x5a: {  	_ =	swait.ge [sflag:s14], $0x80  }
0x5b: {  	[sflag:s14] =	ssyncset.done $0x0  }
0x5c: {  	[sflag:s14] =	ssyncadd.s32 $0xFFFFFF80  }
0x5d: {  	s26 =	sadd.s32 s18, s16;
	_ =	strace $0x9000004A  }
0x5e: {  	s14 =	sand.u32 $0x1, s26;
	_ =	strace $0x8000004B  }
0x5f: {  	s30 =	sshll.u32 s19, $0x7;
	s31 =	sshll.u32 s14, $0xE;
	s28 =	rddreg [dreg:$0x4]  }
0x60: {  	s17 =	sand.u32 $0x80, s30;
	s18 =	sor.u32 $0x100, s31;
	s29 =	rddreg [dreg:$0x3]  }
0x61: {  	[tilespmem:s18], [sflag:$0x5] =	stream.indirect.gather [hbm4b:s29+s28], $0x80, s17, s28, $0x2000b8;
	[tilespmem:$0x8100] =	vst v63  }
0x62: {  	_ =	swait.ge [sflag:s8], $0x4000  }
0x63: {  	[sflag:s8] =	ssyncset.done $0x0  }
0x64: {  	p5 =	por p3, p3;
	p6 =	seq.s32 s12, $0x1;
	[sflag:s8] =	ssyncadd.s32 $0xFFFFC000  }
0x65: {  	s11 =	sadd.s32 s4, s11;
	p0 =	por p6, p5;
	_ =	strace $0x9000004B  }
0x66: {  	s11 =	sshll.u32 @p0 s11, $0xB;
	_ =	strace @p0 $0x8000004C  }
0x67: {  	s13 =	sadd.s32 s21, s13;
	s11 =	sand.u32 @p0 $0x1FFFF800, s11;
	s12 =	rddreg [dreg:$0x5]  }
0x68: {  	s14 =	sadd.s32 @p0 $0x3, s14;
	s11 =	sadd.s32 @p0 s12, s11;
	s12 =	simm.s32 @p0 $0x0  }
0x69: {  	[hbm4b:s11+s12] =	stream.linear.scatter @p0 [tilespmem:s18], [sflag:s14], $0x4000, $0x200038;
	[tilespmem:$0x8100] =	vst v63  }
0x6a: {  	p1 =	por p2, p2;
	s11 =	sand.u32 @!p2 $0x1, s13;
	_ =	strace @p0 $0x9000004C  }
0x6b: {  	s11 =	sadd.s32 @!p1 $0x3, s11;
	_ =	strace @!p1 $0x8000004D  }
0x6c: {  	_ =	swait.ge @!p1 [sflag:s11], $0x4000  }
0x6d: {  	[sflag:s11] =	ssyncset.done @!p1 $0x0  }
0x6e: {  	s10 =	sadd.s32 $0x1, s10;
	[sflag:s11] =	ssyncadd.s32 @!p1 $0xFFFFC000  }
0x6f: {  	p0 =	sne.s32 s10, s6;
	_ =	strace @!p1 $0x9000004D  }
.Ltmp1:
0x70: {  	_ =	strace $0x8000004E;
	(pc) =	sbr.rel @p0 .LBB2_1-.Ltmp1, $4  }
0x71: {  	_ =	swait.ge [sflag:s9], $0x4000  }
0x72: {  	[sflag:s9] =	ssyncset.done $0x0  }
0x73: {  	[sflag:s9] =	ssyncadd.s32 $0xFFFFC000  }
0x74: {  	_ =	strace $0x9000004E  }
0x75: {  	_ =	sfence.sel $0x180000  }
0x76: {  	[bflag:$0x0] =	sbarrier.arrive $0xFFFF  }
0x77: {  	p0 =	sne.s32 s3, $0x0;
	_ =	strace $0x90000047  }
0x78: {  	s0 =	sadd.s32 @!p0 $0x100000, s0;
	[bflag:$0x2] =	sbarrier.arrive $0xFFFF  }
0x79: {  	[sflag:s0] =	ssyncadd.tile.s32 @!p0 $0x1;
	_ =	shalt  }
.Lfunc_end2:
_tile_overlayer_lowered:
.L_overlay_start_2:
0x7a: {  	(tag) =	ssettag $0x2  }
0x7b: {  	s0 =	rddreg [dreg:$0x0];
	s2 =	stileid.u32  }
0x7c: {  	s1 =	rddreg [dreg:$0x1];
	p0 =	sne.s32 s2, $0x0  }
0x7d: {  	s3 =	rddreg [dreg:$0x2];
	[bflag:$0x3] =	sbarrier.arrive $0xFFFF;
	s2 =	simm.s32 @!p0 $0x1C01  }
0x7e: {  	[timem:s3], [sflag:s2] =	dma.local @!p0 [hbm:s0], s1  }
0x7f: {  	s0 =	simm.s32 @!p0 $0x1  }
0x80: {  	_ =	swait.ge @!p0 [sflag:s0], s1  }
0x81: {  	s1 =	ssub.s32 @!p0 $0x0, s1;
	[sflag:s0] =	ssyncset.done @!p0 $0x0  }
0x82: {  	[sflag:s0] =	ssyncadd.s32 @!p0 s1  }
0x83: {  	[bflag:$0x3] =	sbarrier.arrive $0xFFFF  }
0x84: {  	_ =	shalt  }

</sc_bundles>
